<compile_context>
chip_gen: v7x
topology: tpu7x:2x2x1
jax: 0.10.2.dev20260603
libtpu: 0.0.44.dev20260713+nightly
codegen_flags: <defaults>
</compile_context>

<pallas_src>
import functools

import jax
import jax.numpy as jnp
from jax import lax
from jax.experimental import pallas as pl
from jax.experimental.pallas import tpu as pltpu
from jax.experimental.pallas import tpu_sc as plsc

B, S, D, V = 4096, 200, 64, 100000
NC, NS = 2, 16
NW = NC * NS
BPW = B // NW
NB = 8
NCHUNK = BPW // NB
SO = S + 1


def _sc_body(x_hbm, table_hbm, cls_hbm, pos_hbm, out_hbm,
             idx_v, buf, pos_v, cls_v, sem):
    wid = lax.axis_index("s") * NC + lax.axis_index("c")

    pltpu.sync_copy(pos_hbm, pos_v)
    pltpu.sync_copy(cls_hbm, cls_v)

    for k in range(D // 16):
        ck = cls_v[0, pl.ds(16 * k, 16)]
        for bi in range(NB):
            buf[bi * SO, pl.ds(16 * k, 16)] = ck

    def chunk_body(c, _):
        b0 = wid * BPW + c * NB
        pltpu.sync_copy(x_hbm.at[pl.ds(2 * b0, 2 * NB)], idx_v)

        copies = []
        for i in range(2 * NB):
            dst_row = (i // 2) * SO + 1 + (i % 2) * 100
            copies.append(
                pltpu.async_copy(
                    table_hbm.at[idx_v.at[i]],
                    buf.at[pl.ds(dst_row, 100)],
                    sem,
                )
            )
        for cp in copies:
            cp.wait()

        def s_body(s, _):
            for k in range(D // 16):
                p = pos_v[s, pl.ds(16 * k, 16)]
                for bi in range(NB):
                    r = bi * SO + 1 + s
                    buf[r, pl.ds(16 * k, 16)] = buf[r, pl.ds(16 * k, 16)] + p
            return 0

        lax.fori_loop(0, S, s_body, 0)

        pltpu.sync_copy(buf, out_hbm.at[pl.ds(b0 * SO, NB * SO)])
        return 0

    lax.fori_loop(0, NCHUNK, chunk_body, 0)


@jax.jit
def _embed(x2, value_table, cls2, pos_embedding):
    mesh = plsc.VectorSubcoreMesh(core_axis_name="c", subcore_axis_name="s")
    f = pl.kernel(
        _sc_body,
        out_type=jax.ShapeDtypeStruct((B * SO, D), jnp.float32),
        mesh=mesh,
        scratch_types=[
            pltpu.VMEM((2 * NB, S // 2), jnp.int32),
            pltpu.VMEM((NB * SO, D), jnp.float32),
            pltpu.VMEM((S, D), jnp.float32),
            pltpu.VMEM((1, D), jnp.float32),
            pltpu.SemaphoreType.DMA,
        ],
        compiler_params=pltpu.CompilerParams(use_tc_tiling_on_sc=False),
    )
    return f(x2, value_table, cls2, pos_embedding)


def kernel(x, value_table, cls_token, pos_embedding):
    x2 = x.astype(jnp.int32).reshape(2 * B, S // 2)
    cls2 = cls_token.reshape(1, D)
    out = _embed(x2, value_table, cls2, pos_embedding)
    return out.reshape(B, SO, D)

# --- scband reference (transcript-rebuilt; emitter-appended) ---
"""Pipeline reference for scband-embed-layer-13486197309697 (READ-ONLY COPY).

The authoritative reference and input builder live on the scoring server;
editing this copy changes nothing except your own understanding.
"""

import jax, jax.numpy as jnp
import numpy as np

B, S, D, V = 4096, 200, 64, 100000

def get_positional_encoding(seq_len, embedding_dim):
    v = jnp.arange(0, seq_len) * 1.0
    base = jnp.ones(embedding_dim) / 10000
    poww = (jnp.arange(0, embedding_dim) // 2) * 2.0 / embedding_dim
    denom = jnp.power(base, poww)
    res = jnp.matmul(jnp.reshape(v, (seq_len, 1)), jnp.reshape(denom, (1, embedding_dim)))
    # NOTE: the original torch code applies sin/cos along the SEQUENCE dim (rows),
    # faithfully replicated here.
    res = res.at[::2, :].set(jnp.sin(res[::2, :]))
    res = res.at[1::2, :].set(jnp.cos(res[1::2, :]))
    return res.astype(jnp.float32)

def setup_inputs(seed: int = 0) -> dict:
    key = jax.random.key(seed)
    k1, k2, k3 = jax.random.split(key, 3)
    x = jax.random.randint(k1, (B, S), 0, V, dtype=jnp.int64) if jax.config.jax_enable_x64 else jax.random.randint(k1, (B, S), 0, V).astype(jnp.int32)
    value_table = jax.random.normal(k2, (V, D), dtype=jnp.float32) * 0.02
    cls_token = jax.random.uniform(k3, (D,), dtype=jnp.float32)
    pos_embedding = get_positional_encoding(S, D)
    return {"x": x, "value_table": value_table, "cls_token": cls_token, "pos_embedding": pos_embedding}

def reference(x, value_table, cls_token, pos_embedding):
    b = x.shape[0]
    name_embeds = jnp.broadcast_to(pos_embedding[None, :, :], (b, pos_embedding.shape[0], pos_embedding.shape[1]))
    value_embeds = jnp.take(value_table, x, axis=0)
    cls_tokens = jnp.broadcast_to(cls_token[None, None, :], (b, 1, cls_token.shape[0]))
    embeds = name_embeds + value_embeds
    return jnp.concatenate((cls_tokens, embeds), axis=1)

if __name__ == "__main__":
    import jax
    _d = setup_inputs()
    print(jax.jit(kernel)(*tuple(_d.values())))

</pallas_src>

<mosaic_0001>
#map = affine_map<(d0, d1) -> (0, 0)>
module attributes {stable_mosaic.version = 14 : i64} {
  func.func @_sc_body(%arg0: i32, %arg1: i32, %arg2: memref<8192x100xi32, #tpu.memory_space<hbm>>, %arg3: memref<100000x64xf32, #tpu.memory_space<hbm>>, %arg4: memref<1x64xf32, #tpu.memory_space<hbm>>, %arg5: memref<200x64xf32, #tpu.memory_space<hbm>>, %arg6: memref<823296x64xf32, #tpu.memory_space<hbm>>, %arg7: memref<16x100xi32, #tpu.memory_space<vmem>>, %arg8: memref<1608x64xf32, #tpu.memory_space<vmem>>, %arg9: memref<200x64xf32, #tpu.memory_space<vmem>>, %arg10: memref<1x64xf32, #tpu.memory_space<vmem>>, %arg11: memref<!tpu.dma_semaphore, #tpu.memory_space<semaphore_mem>>) attributes {dimension_semantics = [#tpu.dimension_semantics<core_parallel>, #tpu.dimension_semantics<subcore_parallel>], iteration_bounds = array<i64: 2, 16>, scalar_prefetch = 0 : i64, scratch_operands = 5 : i64, tpu.core_type = #tpu.core_type<sc_vector_subcore>, window_params = [{transform_indices = #map}, {transform_indices = #map}, {transform_indices = #map}, {transform_indices = #map}, {transform_indices = #map}]} {
    %mul3A = arith.constant 2 : i32
    %mul3A_0 = arith.muli %arg1, %mul3A : i32
    %add3A = arith.addi %mul3A_0, %arg0 : i32
    "tpu.region"() ({
      %run_scoped3A = tpu.sem_alloc : memref<!tpu.dma_semaphore, #tpu.memory_space<semaphore_mem>>
      tpu.enqueue_dma source(%arg5 : memref<200x64xf32, #tpu.memory_space<hbm>>) target(%arg9 : memref<200x64xf32, #tpu.memory_space<vmem>>) target_semaphore(%run_scoped3A : memref<!tpu.dma_semaphore, #tpu.memory_space<semaphore_mem>>)
      tpu.wait_dma2 semaphore(%run_scoped3A : memref<!tpu.dma_semaphore, #tpu.memory_space<semaphore_mem>>) src(%arg5 : memref<200x64xf32, #tpu.memory_space<hbm>>) dst(%arg9 : memref<200x64xf32, #tpu.memory_space<vmem>>)
      tpu.yield
    }) : () -> ()
    "tpu.region"() ({
      %run_scoped3A = tpu.sem_alloc : memref<!tpu.dma_semaphore, #tpu.memory_space<semaphore_mem>>
      tpu.enqueue_dma source(%arg4 : memref<1x64xf32, #tpu.memory_space<hbm>>) target(%arg10 : memref<1x64xf32, #tpu.memory_space<vmem>>) target_semaphore(%run_scoped3A : memref<!tpu.dma_semaphore, #tpu.memory_space<semaphore_mem>>)
      tpu.wait_dma2 semaphore(%run_scoped3A : memref<!tpu.dma_semaphore, #tpu.memory_space<semaphore_mem>>) src(%arg4 : memref<1x64xf32, #tpu.memory_space<hbm>>) dst(%arg10 : memref<1x64xf32, #tpu.memory_space<vmem>>)
      tpu.yield
    }) : () -> ()
    %get3A = arith.constant 0 : i32
    %get3A_1 = arith.index_cast %get3A : i32 to index
    %get3A_2 = arith.constant 0 : index
    %get3A_3 = tpu.vector_load %arg10[%get3A_1, %get3A_2] {strides = array<i32>} : memref<1x64xf32, #tpu.memory_space<vmem>>, vector<1x16xf32>,
    %get3A_4 = vector.shape_cast %get3A_3 : vector<1x16xf32> to vector<16xf32>
    %swap3A = arith.constant 0 : i32
    %swap3A_5 = arith.index_cast %swap3A : i32 to index
    %swap3A_6 = arith.constant 0 : index
    %swap3A_7 = tpu.vector_load %arg8[%swap3A_5, %swap3A_6] {strides = array<i32>} : memref<1608x64xf32, #tpu.memory_space<vmem>>, vector<1x16xf32>,
    %swap3A_8 = vector.shape_cast %swap3A_7 : vector<1x16xf32> to vector<16xf32>
    %swap3A_9 = vector.shape_cast %get3A_4 : vector<16xf32> to vector<1x16xf32>
    tpu.vector_store %arg8[%swap3A_5, %swap3A_6], %swap3A_9 {strides = array<i32>} : memref<1608x64xf32, #tpu.memory_space<vmem>>, vector<1x16xf32>,
    %swap3A_10 = arith.constant 201 : i32
    %swap3A_11 = arith.index_cast %swap3A_10 : i32 to index
    %swap3A_12 = arith.constant 0 : index
    %swap3A_13 = tpu.vector_load %arg8[%swap3A_11, %swap3A_12] {strides = array<i32>} : memref<1608x64xf32, #tpu.memory_space<vmem>>, vector<1x16xf32>,
    %swap3A_14 = vector.shape_cast %swap3A_13 : vector<1x16xf32> to vector<16xf32>
    %swap3A_15 = vector.shape_cast %get3A_4 : vector<16xf32> to vector<1x16xf32>
    tpu.vector_store %arg8[%swap3A_11, %swap3A_12], %swap3A_15 {strides = array<i32>} : memref<1608x64xf32, #tpu.memory_space<vmem>>, vector<1x16xf32>,
    %swap3A_16 = arith.constant 402 : i32
    %swap3A_17 = arith.index_cast %swap3A_16 : i32 to index
    %swap3A_18 = arith.constant 0 : index
    %swap3A_19 = tpu.vector_load %arg8[%swap3A_17, %swap3A_18] {strides = array<i32>} : memref<1608x64xf32, #tpu.memory_space<vmem>>, vector<1x16xf32>,
    %swap3A_20 = vector.shape_cast %swap3A_19 : vector<1x16xf32> to vector<16xf32>
    %swap3A_21 = vector.shape_cast %get3A_4 : vector<16xf32> to vector<1x16xf32>
    tpu.vector_store %arg8[%swap3A_17, %swap3A_18], %swap3A_21 {strides = array<i32>} : memref<1608x64xf32, #tpu.memory_space<vmem>>, vector<1x16xf32>,
    %swap3A_22 = arith.constant 603 : i32
    %swap3A_23 = arith.index_cast %swap3A_22 : i32 to index
    %swap3A_24 = arith.constant 0 : index
    %swap3A_25 = tpu.vector_load %arg8[%swap3A_23, %swap3A_24] {strides = array<i32>} : memref<1608x64xf32, #tpu.memory_space<vmem>>, vector<1x16xf32>,
    %swap3A_26 = vector.shape_cast %swap3A_25 : vector<1x16xf32> to vector<16xf32>
    %swap3A_27 = vector.shape_cast %get3A_4 : vector<16xf32> to vector<1x16xf32>
    tpu.vector_store %arg8[%swap3A_23, %swap3A_24], %swap3A_27 {strides = array<i32>} : memref<1608x64xf32, #tpu.memory_space<vmem>>, vector<1x16xf32>,
    %swap3A_28 = arith.constant 804 : i32
    %swap3A_29 = arith.index_cast %swap3A_28 : i32 to index
    %swap3A_30 = arith.constant 0 : index
    %swap3A_31 = tpu.vector_load %arg8[%swap3A_29, %swap3A_30] {strides = array<i32>} : memref<1608x64xf32, #tpu.memory_space<vmem>>, vector<1x16xf32>,
    %swap3A_32 = vector.shape_cast %swap3A_31 : vector<1x16xf32> to vector<16xf32>
    %swap3A_33 = vector.shape_cast %get3A_4 : vector<16xf32> to vector<1x16xf32>
    tpu.vector_store %arg8[%swap3A_29, %swap3A_30], %swap3A_33 {strides = array<i32>} : memref<1608x64xf32, #tpu.memory_space<vmem>>, vector<1x16xf32>,
    %swap3A_34 = arith.constant 1005 : i32
    %swap3A_35 = arith.index_cast %swap3A_34 : i32 to index
    %swap3A_36 = arith.constant 0 : index
    %swap3A_37 = tpu.vector_load %arg8[%swap3A_35, %swap3A_36] {strides = array<i32>} : memref<1608x64xf32, #tpu.memory_space<vmem>>, vector<1x16xf32>,
    %swap3A_38 = vector.shape_cast %swap3A_37 : vector<1x16xf32> to vector<16xf32>
    %swap3A_39 = vector.shape_cast %get3A_4 : vector<16xf32> to vector<1x16xf32>
    tpu.vector_store %arg8[%swap3A_35, %swap3A_36], %swap3A_39 {strides = array<i32>} : memref<1608x64xf32, #tpu.memory_space<vmem>>, vector<1x16xf32>,
    %swap3A_40 = arith.constant 1206 : i32
    %swap3A_41 = arith.index_cast %swap3A_40 : i32 to index
    %swap3A_42 = arith.constant 0 : index
    %swap3A_43 = tpu.vector_load %arg8[%swap3A_41, %swap3A_42] {strides = array<i32>} : memref<1608x64xf32, #tpu.memory_space<vmem>>, vector<1x16xf32>,
    %swap3A_44 = vector.shape_cast %swap3A_43 : vector<1x16xf32> to vector<16xf32>
    %swap3A_45 = vector.shape_cast %get3A_4 : vector<16xf32> to vector<1x16xf32>
    tpu.vector_store %arg8[%swap3A_41, %swap3A_42], %swap3A_45 {strides = array<i32>} : memref<1608x64xf32, #tpu.memory_space<vmem>>, vector<1x16xf32>,
    %swap3A_46 = arith.constant 1407 : i32
    %swap3A_47 = arith.index_cast %swap3A_46 : i32 to index
    %swap3A_48 = arith.constant 0 : index
    %swap3A_49 = tpu.vector_load %arg8[%swap3A_47, %swap3A_48] {strides = array<i32>} : memref<1608x64xf32, #tpu.memory_space<vmem>>, vector<1x16xf32>,
    %swap3A_50 = vector.shape_cast %swap3A_49 : vector<1x16xf32> to vector<16xf32>
    %swap3A_51 = vector.shape_cast %get3A_4 : vector<16xf32> to vector<1x16xf32>
    tpu.vector_store %arg8[%swap3A_47, %swap3A_48], %swap3A_51 {strides = array<i32>} : memref<1608x64xf32, #tpu.memory_space<vmem>>, vector<1x16xf32>,
    %get3A_52 = arith.constant 0 : i32
    %get3A_53 = arith.index_cast %get3A_52 : i32 to index
    %get3A_54 = arith.constant 16 : index
    %get3A_55 = tpu.vector_load %arg10[%get3A_53, %get3A_54] {strides = array<i32>} : memref<1x64xf32, #tpu.memory_space<vmem>>, vector<1x16xf32>,
    %get3A_56 = vector.shape_cast %get3A_55 : vector<1x16xf32> to vector<16xf32>
    %swap3A_57 = arith.constant 0 : i32
    %swap3A_58 = arith.index_cast %swap3A_57 : i32 to index
    %swap3A_59 = arith.constant 16 : index
    %swap3A_60 = tpu.vector_load %arg8[%swap3A_58, %swap3A_59] {strides = array<i32>} : memref<1608x64xf32, #tpu.memory_space<vmem>>, vector<1x16xf32>,
    %swap3A_61 = vector.shape_cast %swap3A_60 : vector<1x16xf32> to vector<16xf32>
    %swap3A_62 = vector.shape_cast %get3A_56 : vector<16xf32> to vector<1x16xf32>
    tpu.vector_store %arg8[%swap3A_58, %swap3A_59], %swap3A_62 {strides = array<i32>} : memref<1608x64xf32, #tpu.memory_space<vmem>>, vector<1x16xf32>,
    %swap3A_63 = arith.constant 201 : i32
    %swap3A_64 = arith.index_cast %swap3A_63 : i32 to index
    %swap3A_65 = arith.constant 16 : index
    %swap3A_66 = tpu.vector_load %arg8[%swap3A_64, %swap3A_65] {strides = array<i32>} : memref<1608x64xf32, #tpu.memory_space<vmem>>, vector<1x16xf32>,
    %swap3A_67 = vector.shape_cast %swap3A_66 : vector<1x16xf32> to vector<16xf32>
    %swap3A_68 = vector.shape_cast %get3A_56 : vector<16xf32> to vector<1x16xf32>
    tpu.vector_store %arg8[%swap3A_64, %swap3A_65], %swap3A_68 {strides = array<i32>} : memref<1608x64xf32, #tpu.memory_space<vmem>>, vector<1x16xf32>,
    %swap3A_69 = arith.constant 402 : i32
    %swap3A_70 = arith.index_cast %swap3A_69 : i32 to index
    %swap3A_71 = arith.constant 16 : index
    %swap3A_72 = tpu.vector_load %arg8[%swap3A_70, %swap3A_71] {strides = array<i32>} : memref<1608x64xf32, #tpu.memory_space<vmem>>, vector<1x16xf32>,
    %swap3A_73 = vector.shape_cast %swap3A_72 : vector<1x16xf32> to vector<16xf32>
    %swap3A_74 = vector.shape_cast %get3A_56 : vector<16xf32> to vector<1x16xf32>
    tpu.vector_store %arg8[%swap3A_70, %swap3A_71], %swap3A_74 {strides = array<i32>} : memref<1608x64xf32, #tpu.memory_space<vmem>>, vector<1x16xf32>,
    %swap3A_75 = arith.constant 603 : i32
    %swap3A_76 = arith.index_cast %swap3A_75 : i32 to index
    %swap3A_77 = arith.constant 16 : index
    %swap3A_78 = tpu.vector_load %arg8[%swap3A_76, %swap3A_77] {strides = array<i32>} : memref<1608x64xf32, #tpu.memory_space<vmem>>, vector<1x16xf32>,
    %swap3A_79 = vector.shape_cast %swap3A_78 : vector<1x16xf32> to vector<16xf32>
    %swap3A_80 = vector.shape_cast %get3A_56 : vector<16xf32> to vector<1x16xf32>
    tpu.vector_store %arg8[%swap3A_76, %swap3A_77], %swap3A_80 {strides = array<i32>} : memref<1608x64xf32, #tpu.memory_space<vmem>>, vector<1x16xf32>,
    %swap3A_81 = arith.constant 804 : i32
    %swap3A_82 = arith.index_cast %swap3A_81 : i32 to index
    %swap3A_83 = arith.constant 16 : index
    %swap3A_84 = tpu.vector_load %arg8[%swap3A_82, %swap3A_83] {strides = array<i32>} : memref<1608x64xf32, #tpu.memory_space<vmem>>, vector<1x16xf32>,
    %swap3A_85 = vector.shape_cast %swap3A_84 : vector<1x16xf32> to vector<16xf32>
    %swap3A_86 = vector.shape_cast %get3A_56 : vector<16xf32> to vector<1x16xf32>
    tpu.vector_store %arg8[%swap3A_82, %swap3A_83], %swap3A_86 {strides = array<i32>} : memref<1608x64xf32, #tpu.memory_space<vmem>>, vector<1x16xf32>,
    %swap3A_87 = arith.constant 1005 : i32
    %swap3A_88 = arith.index_cast %swap3A_87 : i32 to index
    %swap3A_89 = arith.constant 16 : index
    %swap3A_90 = tpu.vector_load %arg8[%swap3A_88, %swap3A_89] {strides = array<i32>} : memref<1608x64xf32, #tpu.memory_space<vmem>>, vector<1x16xf32>,
    %swap3A_91 = vector.shape_cast %swap3A_90 : vector<1x16xf32> to vector<16xf32>
    %swap3A_92 = vector.shape_cast %get3A_56 : vector<16xf32> to vector<1x16xf32>
    tpu.vector_store %arg8[%swap3A_88, %swap3A_89], %swap3A_92 {strides = array<i32>} : memref<1608x64xf32, #tpu.memory_space<vmem>>, vector<1x16xf32>,
    %swap3A_93 = arith.constant 1206 : i32
    %swap3A_94 = arith.index_cast %swap3A_93 : i32 to index
    %swap3A_95 = arith.constant 16 : index
    %swap3A_96 = tpu.vector_load %arg8[%swap3A_94, %swap3A_95] {strides = array<i32>} : memref<1608x64xf32, #tpu.memory_space<vmem>>, vector<1x16xf32>,
    %swap3A_97 = vector.shape_cast %swap3A_96 : vector<1x16xf32> to vector<16xf32>
    %swap3A_98 = vector.shape_cast %get3A_56 : vector<16xf32> to vector<1x16xf32>
    tpu.vector_store %arg8[%swap3A_94, %swap3A_95], %swap3A_98 {strides = array<i32>} : memref<1608x64xf32, #tpu.memory_space<vmem>>, vector<1x16xf32>,
    %swap3A_99 = arith.constant 1407 : i32
    %swap3A_100 = arith.index_cast %swap3A_99 : i32 to index
    %swap3A_101 = arith.constant 16 : index
    %swap3A_102 = tpu.vector_load %arg8[%swap3A_100, %swap3A_101] {strides = array<i32>} : memref<1608x64xf32, #tpu.memory_space<vmem>>, vector<1x16xf32>,
    %swap3A_103 = vector.shape_cast %swap3A_102 : vector<1x16xf32> to vector<16xf32>
    %swap3A_104 = vector.shape_cast %get3A_56 : vector<16xf32> to vector<1x16xf32>
    tpu.vector_store %arg8[%swap3A_100, %swap3A_101], %swap3A_104 {strides = array<i32>} : memref<1608x64xf32, #tpu.memory_space<vmem>>, vector<1x16xf32>,
    %get3A_105 = arith.constant 0 : i32
    %get3A_106 = arith.index_cast %get3A_105 : i32 to index
    %get3A_107 = arith.constant 32 : index
    %get3A_108 = tpu.vector_load %arg10[%get3A_106, %get3A_107] {strides = array<i32>} : memref<1x64xf32, #tpu.memory_space<vmem>>, vector<1x16xf32>,
    %get3A_109 = vector.shape_cast %get3A_108 : vector<1x16xf32> to vector<16xf32>
    %swap3A_110 = arith.constant 0 : i32
    %swap3A_111 = arith.index_cast %swap3A_110 : i32 to index
    %swap3A_112 = arith.constant 32 : index
    %swap3A_113 = tpu.vector_load %arg8[%swap3A_111, %swap3A_112] {strides = array<i32>} : memref<1608x64xf32, #tpu.memory_space<vmem>>, vector<1x16xf32>,
    %swap3A_114 = vector.shape_cast %swap3A_113 : vector<1x16xf32> to vector<16xf32>
    %swap3A_115 = vector.shape_cast %get3A_109 : vector<16xf32> to vector<1x16xf32>
    tpu.vector_store %arg8[%swap3A_111, %swap3A_112], %swap3A_115 {strides = array<i32>} : memref<1608x64xf32, #tpu.memory_space<vmem>>, vector<1x16xf32>,
    %swap3A_116 = arith.constant 201 : i32
    %swap3A_117 = arith.index_cast %swap3A_116 : i32 to index
    %swap3A_118 = arith.constant 32 : index
    %swap3A_119 = tpu.vector_load %arg8[%swap3A_117, %swap3A_118] {strides = array<i32>} : memref<1608x64xf32, #tpu.memory_space<vmem>>, vector<1x16xf32>,
    %swap3A_120 = vector.shape_cast %swap3A_119 : vector<1x16xf32> to vector<16xf32>
    %swap3A_121 = vector.shape_cast %get3A_109 : vector<16xf32> to vector<1x16xf32>
    tpu.vector_store %arg8[%swap3A_117, %swap3A_118], %swap3A_121 {strides = array<i32>} : memref<1608x64xf32, #tpu.memory_space<vmem>>, vector<1x16xf32>,
    %swap3A_122 = arith.constant 402 : i32
    %swap3A_123 = arith.index_cast %swap3A_122 : i32 to index
    %swap3A_124 = arith.constant 32 : index
    %swap3A_125 = tpu.vector_load %arg8[%swap3A_123, %swap3A_124] {strides = array<i32>} : memref<1608x64xf32, #tpu.memory_space<vmem>>, vector<1x16xf32>,
    %swap3A_126 = vector.shape_cast %swap3A_125 : vector<1x16xf32> to vector<16xf32>
    %swap3A_127 = vector.shape_cast %get3A_109 : vector<16xf32> to vector<1x16xf32>
    tpu.vector_store %arg8[%swap3A_123, %swap3A_124], %swap3A_127 {strides = array<i32>} : memref<1608x64xf32, #tpu.memory_space<vmem>>, vector<1x16xf32>,
    %swap3A_128 = arith.constant 603 : i32
    %swap3A_129 = arith.index_cast %swap3A_128 : i32 to index
    %swap3A_130 = arith.constant 32 : index
    %swap3A_131 = tpu.vector_load %arg8[%swap3A_129, %swap3A_130] {strides = array<i32>} : memref<1608x64xf32, #tpu.memory_space<vmem>>, vector<1x16xf32>,
    %swap3A_132 = vector.shape_cast %swap3A_131 : vector<1x16xf32> to vector<16xf32>
    %swap3A_133 = vector.shape_cast %get3A_109 : vector<16xf32> to vector<1x16xf32>
    tpu.vector_store %arg8[%swap3A_129, %swap3A_130], %swap3A_133 {strides = array<i32>} : memref<1608x64xf32, #tpu.memory_space<vmem>>, vector<1x16xf32>,
    %swap3A_134 = arith.constant 804 : i32
    %swap3A_135 = arith.index_cast %swap3A_134 : i32 to index
    %swap3A_136 = arith.constant 32 : index
    %swap3A_137 = tpu.vector_load %arg8[%swap3A_135, %swap3A_136] {strides = array<i32>} : memref<1608x64xf32, #tpu.memory_space<vmem>>, vector<1x16xf32>,
    %swap3A_138 = vector.shape_cast %swap3A_137 : vector<1x16xf32> to vector<16xf32>
    %swap3A_139 = vector.shape_cast %get3A_109 : vector<16xf32> to vector<1x16xf32>
    tpu.vector_store %arg8[%swap3A_135, %swap3A_136], %swap3A_139 {strides = array<i32>} : memref<1608x64xf32, #tpu.memory_space<vmem>>, vector<1x16xf32>,
    %swap3A_140 = arith.constant 1005 : i32
    %swap3A_141 = arith.index_cast %swap3A_140 : i32 to index
    %swap3A_142 = arith.constant 32 : index
    %swap3A_143 = tpu.vector_load %arg8[%swap3A_141, %swap3A_142] {strides = array<i32>} : memref<1608x64xf32, #tpu.memory_space<vmem>>, vector<1x16xf32>,
    %swap3A_144 = vector.shape_cast %swap3A_143 : vector<1x16xf32> to vector<16xf32>
    %swap3A_145 = vector.shape_cast %get3A_109 : vector<16xf32> to vector<1x16xf32>
    tpu.vector_store %arg8[%swap3A_141, %swap3A_142], %swap3A_145 {strides = array<i32>} : memref<1608x64xf32, #tpu.memory_space<vmem>>, vector<1x16xf32>,
    %swap3A_146 = arith.constant 1206 : i32
    %swap3A_147 = arith.index_cast %swap3A_146 : i32 to index
    %swap3A_148 = arith.constant 32 : index
    %swap3A_149 = tpu.vector_load %arg8[%swap3A_147, %swap3A_148] {strides = array<i32>} : memref<1608x64xf32, #tpu.memory_space<vmem>>, vector<1x16xf32>,
    %swap3A_150 = vector.shape_cast %swap3A_149 : vector<1x16xf32> to vector<16xf32>
    %swap3A_151 = vector.shape_cast %get3A_109 : vector<16xf32> to vector<1x16xf32>
    tpu.vector_store %arg8[%swap3A_147, %swap3A_148], %swap3A_151 {strides = array<i32>} : memref<1608x64xf32, #tpu.memory_space<vmem>>, vector<1x16xf32>,
    %swap3A_152 = arith.constant 1407 : i32
    %swap3A_153 = arith.index_cast %swap3A_152 : i32 to index
    %swap3A_154 = arith.constant 32 : index
    %swap3A_155 = tpu.vector_load %arg8[%swap3A_153, %swap3A_154] {strides = array<i32>} : memref<1608x64xf32, #tpu.memory_space<vmem>>, vector<1x16xf32>,
    %swap3A_156 = vector.shape_cast %swap3A_155 : vector<1x16xf32> to vector<16xf32>
    %swap3A_157 = vector.shape_cast %get3A_109 : vector<16xf32> to vector<1x16xf32>
    tpu.vector_store %arg8[%swap3A_153, %swap3A_154], %swap3A_157 {strides = array<i32>} : memref<1608x64xf32, #tpu.memory_space<vmem>>, vector<1x16xf32>,
    %get3A_158 = arith.constant 0 : i32
    %get3A_159 = arith.index_cast %get3A_158 : i32 to index
    %get3A_160 = arith.constant 48 : index
    %get3A_161 = tpu.vector_load %arg10[%get3A_159, %get3A_160] {strides = array<i32>} : memref<1x64xf32, #tpu.memory_space<vmem>>, vector<1x16xf32>,
    %get3A_162 = vector.shape_cast %get3A_161 : vector<1x16xf32> to vector<16xf32>
    %swap3A_163 = arith.constant 0 : i32
    %swap3A_164 = arith.index_cast %swap3A_163 : i32 to index
    %swap3A_165 = arith.constant 48 : index
    %swap3A_166 = tpu.vector_load %arg8[%swap3A_164, %swap3A_165] {strides = array<i32>} : memref<1608x64xf32, #tpu.memory_space<vmem>>, vector<1x16xf32>,
    %swap3A_167 = vector.shape_cast %swap3A_166 : vector<1x16xf32> to vector<16xf32>
    %swap3A_168 = vector.shape_cast %get3A_162 : vector<16xf32> to vector<1x16xf32>
    tpu.vector_store %arg8[%swap3A_164, %swap3A_165], %swap3A_168 {strides = array<i32>} : memref<1608x64xf32, #tpu.memory_space<vmem>>, vector<1x16xf32>,
    %swap3A_169 = arith.constant 201 : i32
    %swap3A_170 = arith.index_cast %swap3A_169 : i32 to index
    %swap3A_171 = arith.constant 48 : index
    %swap3A_172 = tpu.vector_load %arg8[%swap3A_170, %swap3A_171] {strides = array<i32>} : memref<1608x64xf32, #tpu.memory_space<vmem>>, vector<1x16xf32>,
    %swap3A_173 = vector.shape_cast %swap3A_172 : vector<1x16xf32> to vector<16xf32>
    %swap3A_174 = vector.shape_cast %get3A_162 : vector<16xf32> to vector<1x16xf32>
    tpu.vector_store %arg8[%swap3A_170, %swap3A_171], %swap3A_174 {strides = array<i32>} : memref<1608x64xf32, #tpu.memory_space<vmem>>, vector<1x16xf32>,
    %swap3A_175 = arith.constant 402 : i32
    %swap3A_176 = arith.index_cast %swap3A_175 : i32 to index
    %swap3A_177 = arith.constant 48 : index
    %swap3A_178 = tpu.vector_load %arg8[%swap3A_176, %swap3A_177] {strides = array<i32>} : memref<1608x64xf32, #tpu.memory_space<vmem>>, vector<1x16xf32>,
    %swap3A_179 = vector.shape_cast %swap3A_178 : vector<1x16xf32> to vector<16xf32>
    %swap3A_180 = vector.shape_cast %get3A_162 : vector<16xf32> to vector<1x16xf32>
    tpu.vector_store %arg8[%swap3A_176, %swap3A_177], %swap3A_180 {strides = array<i32>} : memref<1608x64xf32, #tpu.memory_space<vmem>>, vector<1x16xf32>,
    %swap3A_181 = arith.constant 603 : i32
    %swap3A_182 = arith.index_cast %swap3A_181 : i32 to index
    %swap3A_183 = arith.constant 48 : index
    %swap3A_184 = tpu.vector_load %arg8[%swap3A_182, %swap3A_183] {strides = array<i32>} : memref<1608x64xf32, #tpu.memory_space<vmem>>, vector<1x16xf32>,
    %swap3A_185 = vector.shape_cast %swap3A_184 : vector<1x16xf32> to vector<16xf32>
    %swap3A_186 = vector.shape_cast %get3A_162 : vector<16xf32> to vector<1x16xf32>
    tpu.vector_store %arg8[%swap3A_182, %swap3A_183], %swap3A_186 {strides = array<i32>} : memref<1608x64xf32, #tpu.memory_space<vmem>>, vector<1x16xf32>,
    %swap3A_187 = arith.constant 804 : i32
    %swap3A_188 = arith.index_cast %swap3A_187 : i32 to index
    %swap3A_189 = arith.constant 48 : index
    %swap3A_190 = tpu.vector_load %arg8[%swap3A_188, %swap3A_189] {strides = array<i32>} : memref<1608x64xf32, #tpu.memory_space<vmem>>, vector<1x16xf32>,
    %swap3A_191 = vector.shape_cast %swap3A_190 : vector<1x16xf32> to vector<16xf32>
    %swap3A_192 = vector.shape_cast %get3A_162 : vector<16xf32> to vector<1x16xf32>
    tpu.vector_store %arg8[%swap3A_188, %swap3A_189], %swap3A_192 {strides = array<i32>} : memref<1608x64xf32, #tpu.memory_space<vmem>>, vector<1x16xf32>,
    %swap3A_193 = arith.constant 1005 : i32
    %swap3A_194 = arith.index_cast %swap3A_193 : i32 to index
    %swap3A_195 = arith.constant 48 : index
    %swap3A_196 = tpu.vector_load %arg8[%swap3A_194, %swap3A_195] {strides = array<i32>} : memref<1608x64xf32, #tpu.memory_space<vmem>>, vector<1x16xf32>,
    %swap3A_197 = vector.shape_cast %swap3A_196 : vector<1x16xf32> to vector<16xf32>
    %swap3A_198 = vector.shape_cast %get3A_162 : vector<16xf32> to vector<1x16xf32>
    tpu.vector_store %arg8[%swap3A_194, %swap3A_195], %swap3A_198 {strides = array<i32>} : memref<1608x64xf32, #tpu.memory_space<vmem>>, vector<1x16xf32>,
    %swap3A_199 = arith.constant 1206 : i32
    %swap3A_200 = arith.index_cast %swap3A_199 : i32 to index
    %swap3A_201 = arith.constant 48 : index
    %swap3A_202 = tpu.vector_load %arg8[%swap3A_200, %swap3A_201] {strides = array<i32>} : memref<1608x64xf32, #tpu.memory_space<vmem>>, vector<1x16xf32>,
    %swap3A_203 = vector.shape_cast %swap3A_202 : vector<1x16xf32> to vector<16xf32>
    %swap3A_204 = vector.shape_cast %get3A_162 : vector<16xf32> to vector<1x16xf32>
    tpu.vector_store %arg8[%swap3A_200, %swap3A_201], %swap3A_204 {strides = array<i32>} : memref<1608x64xf32, #tpu.memory_space<vmem>>, vector<1x16xf32>,
    %swap3A_205 = arith.constant 1407 : i32
    %swap3A_206 = arith.index_cast %swap3A_205 : i32 to index
    %swap3A_207 = arith.constant 48 : index
    %swap3A_208 = tpu.vector_load %arg8[%swap3A_206, %swap3A_207] {strides = array<i32>} : memref<1608x64xf32, #tpu.memory_space<vmem>>, vector<1x16xf32>,
    %swap3A_209 = vector.shape_cast %swap3A_208 : vector<1x16xf32> to vector<16xf32>
    %swap3A_210 = vector.shape_cast %get3A_162 : vector<16xf32> to vector<1x16xf32>
    tpu.vector_store %arg8[%swap3A_206, %swap3A_207], %swap3A_210 {strides = array<i32>} : memref<1608x64xf32, #tpu.memory_space<vmem>>, vector<1x16xf32>,
    %scan3A = arith.constant 0 : i32
    %scan3A_211 = arith.constant 0 : i32
    %scan3A_212 = arith.constant 16 : i32
    %scan3A_213 = arith.addi %scan3A_211, %scan3A_212 : i32
    %scan3A_214 = arith.constant 1 : i32
    %scan3A_215 = scf.for %scan3A_217 = %scan3A_211 to %scan3A_213 step %scan3A_214 iter_args(%scan3A_218 = %scan3A) -> (i32)  : i32 {
      %mul3A_219 = arith.constant 128 : i32
      %mul3A_220 = arith.muli %add3A, %mul3A_219 : i32
      %mul3A_221 = arith.constant 8 : i32
      %mul3A_222 = arith.muli %scan3A_217, %mul3A_221 : i32
      %add3A_223 = arith.addi %mul3A_220, %mul3A_222 : i32
      %mul3A_224 = arith.constant 2 : i32
      %mul3A_225 = arith.muli %mul3A_224, %add3A_223 : i32
      "tpu.region"() ({
        %run_scoped3A = tpu.sem_alloc : memref<!tpu.dma_semaphore, #tpu.memory_space<semaphore_mem>>
        %dma_start3A_554 = arith.constant 0 : i32
        %dma_start3A_555 = tpu.memref_slice %arg2[%mul3A_225, %dma_start3A_554] : memref<8192x100xi32, #tpu.memory_space<hbm>> -> memref<16x100xi32, #tpu.memory_space<hbm>>
        %dma_start3A_556 = arith.constant 0 : i32
        %dma_start3A_557 = tpu.memref_slice %arg2[%mul3A_225, %dma_start3A_556] : memref<8192x100xi32, #tpu.memory_space<hbm>> -> memref<16x100xi32, #tpu.memory_space<hbm>>
        tpu.enqueue_dma source(%dma_start3A_557 : memref<16x100xi32, #tpu.memory_space<hbm>>) target(%arg7 : memref<16x100xi32, #tpu.memory_space<vmem>>) target_semaphore(%run_scoped3A : memref<!tpu.dma_semaphore, #tpu.memory_space<semaphore_mem>>)
        %dma_wait3A_558 = arith.constant 0 : i32
        %dma_wait3A_559 = tpu.memref_slice %arg2[%mul3A_225, %dma_wait3A_558] : memref<8192x100xi32, #tpu.memory_space<hbm>> -> memref<16x100xi32, #tpu.memory_space<hbm>>
        %dma_wait3A_560 = arith.constant 0 : i32
        %dma_wait3A_561 = tpu.memref_slice %arg2[%mul3A_225, %dma_wait3A_560] : memref<8192x100xi32, #tpu.memory_space<hbm>> -> memref<16x100xi32, #tpu.memory_space<hbm>>
        tpu.wait_dma2 semaphore(%run_scoped3A : memref<!tpu.dma_semaphore, #tpu.memory_space<semaphore_mem>>) src(%dma_wait3A_561 : memref<16x100xi32, #tpu.memory_space<hbm>>) dst(%arg7 : memref<16x100xi32, #tpu.memory_space<vmem>>)
        tpu.yield
      }) : () -> ()
      %dma_start3A = arith.constant 0 : i32
      %dma_start3A_226 = arith.constant 1 : i32
      %dma_start3A_227 = arith.constant 0 : i32
      %dma_start3A_228 = tpu.memref_slice %arg8[%dma_start3A_226, %dma_start3A_227] : memref<1608x64xf32, #tpu.memory_space<vmem>> -> memref<100x64xf32, #tpu.memory_space<vmem>>
      %dma_start3A_229 = arith.constant 0 : i32
      %dma_start3A_230 = tpu.memref_slice %arg7[%dma_start3A, %dma_start3A_229] : memref<16x100xi32, #tpu.memory_space<vmem>> -> memref<1x100xi32, #tpu.memory_space<vmem>>
      %dma_start3A_231 = tpu.memref_squeeze %dma_start3A_230 : memref<1x100xi32, #tpu.memory_space<vmem>> -> memref<100xi32, #tpu.memory_space<vmem>>
      %dma_start3A_232 = arith.constant 0 : i32
      %dma_start3A_233 = arith.constant 0 : i32
      %dma_start3A_234 = tpu.memref_slice %arg3[%dma_start3A_232, %dma_start3A_233] : memref<100000x64xf32, #tpu.memory_space<hbm>> -> memref<100000x64xf32, #tpu.memory_space<hbm>>
      tpu.enqueue_indirect_dma source(%dma_start3A_234 : memref<100000x64xf32, #tpu.memory_space<hbm>>) target(%dma_start3A_228 : memref<100x64xf32, #tpu.memory_space<vmem>>) offsets(%dma_start3A_231 : memref<100xi32, #tpu.memory_space<vmem>>) semaphore(%arg11 : memref<!tpu.dma_semaphore, #tpu.memory_space<semaphore_mem>>)
      %dma_start3A_235 = arith.constant 1 : i32
      %dma_start3A_236 = arith.constant 101 : i32
      %dma_start3A_237 = arith.constant 0 : i32
      %dma_start3A_238 = tpu.memref_slice %arg8[%dma_start3A_236, %dma_start3A_237] : memref<1608x64xf32, #tpu.memory_space<vmem>> -> memref<100x64xf32, #tpu.memory_space<vmem>>
      %dma_start3A_239 = arith.constant 0 : i32
      %dma_start3A_240 = tpu.memref_slice %arg7[%dma_start3A_235, %dma_start3A_239] : memref<16x100xi32, #tpu.memory_space<vmem>> -> memref<1x100xi32, #tpu.memory_space<vmem>>
      %dma_start3A_241 = tpu.memref_squeeze %dma_start3A_240 : memref<1x100xi32, #tpu.memory_space<vmem>> -> memref<100xi32, #tpu.memory_space<vmem>>
      %dma_start3A_242 = arith.constant 0 : i32
      %dma_start3A_243 = arith.constant 0 : i32
      %dma_start3A_244 = tpu.memref_slice %arg3[%dma_start3A_242, %dma_start3A_243] : memref<100000x64xf32, #tpu.memory_space<hbm>> -> memref<100000x64xf32, #tpu.memory_space<hbm>>
      tpu.enqueue_indirect_dma source(%dma_start3A_244 : memref<100000x64xf32, #tpu.memory_space<hbm>>) target(%dma_start3A_238 : memref<100x64xf32, #tpu.memory_space<vmem>>) offsets(%dma_start3A_241 : memref<100xi32, #tpu.memory_space<vmem>>) semaphore(%arg11 : memref<!tpu.dma_semaphore, #tpu.memory_space<semaphore_mem>>)
      %dma_start3A_245 = arith.constant 2 : i32
      %dma_start3A_246 = arith.constant 202 : i32
      %dma_start3A_247 = arith.constant 0 : i32
      %dma_start3A_248 = tpu.memref_slice %arg8[%dma_start3A_246, %dma_start3A_247] : memref<1608x64xf32, #tpu.memory_space<vmem>> -> memref<100x64xf32, #tpu.memory_space<vmem>>
      %dma_start3A_249 = arith.constant 0 : i32
      %dma_start3A_250 = tpu.memref_slice %arg7[%dma_start3A_245, %dma_start3A_249] : memref<16x100xi32, #tpu.memory_space<vmem>> -> memref<1x100xi32, #tpu.memory_space<vmem>>
      %dma_start3A_251 = tpu.memref_squeeze %dma_start3A_250 : memref<1x100xi32, #tpu.memory_space<vmem>> -> memref<100xi32, #tpu.memory_space<vmem>>
      %dma_start3A_252 = arith.constant 0 : i32
      %dma_start3A_253 = arith.constant 0 : i32
      %dma_start3A_254 = tpu.memref_slice %arg3[%dma_start3A_252, %dma_start3A_253] : memref<100000x64xf32, #tpu.memory_space<hbm>> -> memref<100000x64xf32, #tpu.memory_space<hbm>>
      tpu.enqueue_indirect_dma source(%dma_start3A_254 : memref<100000x64xf32, #tpu.memory_space<hbm>>) target(%dma_start3A_248 : memref<100x64xf32, #tpu.memory_space<vmem>>) offsets(%dma_start3A_251 : memref<100xi32, #tpu.memory_space<vmem>>) semaphore(%arg11 : memref<!tpu.dma_semaphore, #tpu.memory_space<semaphore_mem>>)
      %dma_start3A_255 = arith.constant 3 : i32
      %dma_start3A_256 = arith.constant 302 : i32
      %dma_start3A_257 = arith.constant 0 : i32
      %dma_start3A_258 = tpu.memref_slice %arg8[%dma_start3A_256, %dma_start3A_257] : memref<1608x64xf32, #tpu.memory_space<vmem>> -> memref<100x64xf32, #tpu.memory_space<vmem>>
      %dma_start3A_259 = arith.constant 0 : i32
      %dma_start3A_260 = tpu.memref_slice %arg7[%dma_start3A_255, %dma_start3A_259] : memref<16x100xi32, #tpu.memory_space<vmem>> -> memref<1x100xi32, #tpu.memory_space<vmem>>
      %dma_start3A_261 = tpu.memref_squeeze %dma_start3A_260 : memref<1x100xi32, #tpu.memory_space<vmem>> -> memref<100xi32, #tpu.memory_space<vmem>>
      %dma_start3A_262 = arith.constant 0 : i32
      %dma_start3A_263 = arith.constant 0 : i32
      %dma_start3A_264 = tpu.memref_slice %arg3[%dma_start3A_262, %dma_start3A_263] : memref<100000x64xf32, #tpu.memory_space<hbm>> -> memref<100000x64xf32, #tpu.memory_space<hbm>>
      tpu.enqueue_indirect_dma source(%dma_start3A_264 : memref<100000x64xf32, #tpu.memory_space<hbm>>) target(%dma_start3A_258 : memref<100x64xf32, #tpu.memory_space<vmem>>) offsets(%dma_start3A_261 : memref<100xi32, #tpu.memory_space<vmem>>) semaphore(%arg11 : memref<!tpu.dma_semaphore, #tpu.memory_space<semaphore_mem>>)
      %dma_start3A_265 = arith.constant 4 : i32
      %dma_start3A_266 = arith.constant 403 : i32
      %dma_start3A_267 = arith.constant 0 : i32
      %dma_start3A_268 = tpu.memref_slice %arg8[%dma_start3A_266, %dma_start3A_267] : memref<1608x64xf32, #tpu.memory_space<vmem>> -> memref<100x64xf32, #tpu.memory_space<vmem>>
      %dma_start3A_269 = arith.constant 0 : i32
      %dma_start3A_270 = tpu.memref_slice %arg7[%dma_start3A_265, %dma_start3A_269] : memref<16x100xi32, #tpu.memory_space<vmem>> -> memref<1x100xi32, #tpu.memory_space<vmem>>
      %dma_start3A_271 = tpu.memref_squeeze %dma_start3A_270 : memref<1x100xi32, #tpu.memory_space<vmem>> -> memref<100xi32, #tpu.memory_space<vmem>>
      %dma_start3A_272 = arith.constant 0 : i32
      %dma_start3A_273 = arith.constant 0 : i32
      %dma_start3A_274 = tpu.memref_slice %arg3[%dma_start3A_272, %dma_start3A_273] : memref<100000x64xf32, #tpu.memory_space<hbm>> -> memref<100000x64xf32, #tpu.memory_space<hbm>>
      tpu.enqueue_indirect_dma source(%dma_start3A_274 : memref<100000x64xf32, #tpu.memory_space<hbm>>) target(%dma_start3A_268 : memref<100x64xf32, #tpu.memory_space<vmem>>) offsets(%dma_start3A_271 : memref<100xi32, #tpu.memory_space<vmem>>) semaphore(%arg11 : memref<!tpu.dma_semaphore, #tpu.memory_space<semaphore_mem>>)
      %dma_start3A_275 = arith.constant 5 : i32
      %dma_start3A_276 = arith.constant 503 : i32
      %dma_start3A_277 = arith.constant 0 : i32
      %dma_start3A_278 = tpu.memref_slice %arg8[%dma_start3A_276, %dma_start3A_277] : memref<1608x64xf32, #tpu.memory_space<vmem>> -> memref<100x64xf32, #tpu.memory_space<vmem>>
      %dma_start3A_279 = arith.constant 0 : i32
      %dma_start3A_280 = tpu.memref_slice %arg7[%dma_start3A_275, %dma_start3A_279] : memref<16x100xi32, #tpu.memory_space<vmem>> -> memref<1x100xi32, #tpu.memory_space<vmem>>
      %dma_start3A_281 = tpu.memref_squeeze %dma_start3A_280 : memref<1x100xi32, #tpu.memory_space<vmem>> -> memref<100xi32, #tpu.memory_space<vmem>>
      %dma_start3A_282 = arith.constant 0 : i32
      %dma_start3A_283 = arith.constant 0 : i32
      %dma_start3A_284 = tpu.memref_slice %arg3[%dma_start3A_282, %dma_start3A_283] : memref<100000x64xf32, #tpu.memory_space<hbm>> -> memref<100000x64xf32, #tpu.memory_space<hbm>>
      tpu.enqueue_indirect_dma source(%dma_start3A_284 : memref<100000x64xf32, #tpu.memory_space<hbm>>) target(%dma_start3A_278 : memref<100x64xf32, #tpu.memory_space<vmem>>) offsets(%dma_start3A_281 : memref<100xi32, #tpu.memory_space<vmem>>) semaphore(%arg11 : memref<!tpu.dma_semaphore, #tpu.memory_space<semaphore_mem>>)
      %dma_start3A_285 = arith.constant 6 : i32
      %dma_start3A_286 = arith.constant 604 : i32
      %dma_start3A_287 = arith.constant 0 : i32
      %dma_start3A_288 = tpu.memref_slice %arg8[%dma_start3A_286, %dma_start3A_287] : memref<1608x64xf32, #tpu.memory_space<vmem>> -> memref<100x64xf32, #tpu.memory_space<vmem>>
      %dma_start3A_289 = arith.constant 0 : i32
      %dma_start3A_290 = tpu.memref_slice %arg7[%dma_start3A_285, %dma_start3A_289] : memref<16x100xi32, #tpu.memory_space<vmem>> -> memref<1x100xi32, #tpu.memory_space<vmem>>
      %dma_start3A_291 = tpu.memref_squeeze %dma_start3A_290 : memref<1x100xi32, #tpu.memory_space<vmem>> -> memref<100xi32, #tpu.memory_space<vmem>>
      %dma_start3A_292 = arith.constant 0 : i32
      %dma_start3A_293 = arith.constant 0 : i32
      %dma_start3A_294 = tpu.memref_slice %arg3[%dma_start3A_292, %dma_start3A_293] : memref<100000x64xf32, #tpu.memory_space<hbm>> -> memref<100000x64xf32, #tpu.memory_space<hbm>>
      tpu.enqueue_indirect_dma source(%dma_start3A_294 : memref<100000x64xf32, #tpu.memory_space<hbm>>) target(%dma_start3A_288 : memref<100x64xf32, #tpu.memory_space<vmem>>) offsets(%dma_start3A_291 : memref<100xi32, #tpu.memory_space<vmem>>) semaphore(%arg11 : memref<!tpu.dma_semaphore, #tpu.memory_space<semaphore_mem>>)
      %dma_start3A_295 = arith.constant 7 : i32
      %dma_start3A_296 = arith.constant 704 : i32
      %dma_start3A_297 = arith.constant 0 : i32
      %dma_start3A_298 = tpu.memref_slice %arg8[%dma_start3A_296, %dma_start3A_297] : memref<1608x64xf32, #tpu.memory_space<vmem>> -> memref<100x64xf32, #tpu.memory_space<vmem>>
      %dma_start3A_299 = arith.constant 0 : i32
      %dma_start3A_300 = tpu.memref_slice %arg7[%dma_start3A_295, %dma_start3A_299] : memref<16x100xi32, #tpu.memory_space<vmem>> -> memref<1x100xi32, #tpu.memory_space<vmem>>
      %dma_start3A_301 = tpu.memref_squeeze %dma_start3A_300 : memref<1x100xi32, #tpu.memory_space<vmem>> -> memref<100xi32, #tpu.memory_space<vmem>>
      %dma_start3A_302 = arith.constant 0 : i32
      %dma_start3A_303 = arith.constant 0 : i32
      %dma_start3A_304 = tpu.memref_slice %arg3[%dma_start3A_302, %dma_start3A_303] : memref<100000x64xf32, #tpu.memory_space<hbm>> -> memref<100000x64xf32, #tpu.memory_space<hbm>>
      tpu.enqueue_indirect_dma source(%dma_start3A_304 : memref<100000x64xf32, #tpu.memory_space<hbm>>) target(%dma_start3A_298 : memref<100x64xf32, #tpu.memory_space<vmem>>) offsets(%dma_start3A_301 : memref<100xi32, #tpu.memory_space<vmem>>) semaphore(%arg11 : memref<!tpu.dma_semaphore, #tpu.memory_space<semaphore_mem>>)
      %dma_start3A_305 = arith.constant 8 : i32
      %dma_start3A_306 = arith.constant 805 : i32
      %dma_start3A_307 = arith.constant 0 : i32
      %dma_start3A_308 = tpu.memref_slice %arg8[%dma_start3A_306, %dma_start3A_307] : memref<1608x64xf32, #tpu.memory_space<vmem>> -> memref<100x64xf32, #tpu.memory_space<vmem>>
      %dma_start3A_309 = arith.constant 0 : i32
      %dma_start3A_310 = tpu.memref_slice %arg7[%dma_start3A_305, %dma_start3A_309] : memref<16x100xi32, #tpu.memory_space<vmem>> -> memref<1x100xi32, #tpu.memory_space<vmem>>
      %dma_start3A_311 = tpu.memref_squeeze %dma_start3A_310 : memref<1x100xi32, #tpu.memory_space<vmem>> -> memref<100xi32, #tpu.memory_space<vmem>>
      %dma_start3A_312 = arith.constant 0 : i32
      %dma_start3A_313 = arith.constant 0 : i32
      %dma_start3A_314 = tpu.memref_slice %arg3[%dma_start3A_312, %dma_start3A_313] : memref<100000x64xf32, #tpu.memory_space<hbm>> -> memref<100000x64xf32, #tpu.memory_space<hbm>>
      tpu.enqueue_indirect_dma source(%dma_start3A_314 : memref<100000x64xf32, #tpu.memory_space<hbm>>) target(%dma_start3A_308 : memref<100x64xf32, #tpu.memory_space<vmem>>) offsets(%dma_start3A_311 : memref<100xi32, #tpu.memory_space<vmem>>) semaphore(%arg11 : memref<!tpu.dma_semaphore, #tpu.memory_space<semaphore_mem>>)
      %dma_start3A_315 = arith.constant 9 : i32
      %dma_start3A_316 = arith.constant 905 : i32
      %dma_start3A_317 = arith.constant 0 : i32
      %dma_start3A_318 = tpu.memref_slice %arg8[%dma_start3A_316, %dma_start3A_317] : memref<1608x64xf32, #tpu.memory_space<vmem>> -> memref<100x64xf32, #tpu.memory_space<vmem>>
      %dma_start3A_319 = arith.constant 0 : i32
      %dma_start3A_320 = tpu.memref_slice %arg7[%dma_start3A_315, %dma_start3A_319] : memref<16x100xi32, #tpu.memory_space<vmem>> -> memref<1x100xi32, #tpu.memory_space<vmem>>
      %dma_start3A_321 = tpu.memref_squeeze %dma_start3A_320 : memref<1x100xi32, #tpu.memory_space<vmem>> -> memref<100xi32, #tpu.memory_space<vmem>>
      %dma_start3A_322 = arith.constant 0 : i32
      %dma_start3A_323 = arith.constant 0 : i32
      %dma_start3A_324 = tpu.memref_slice %arg3[%dma_start3A_322, %dma_start3A_323] : memref<100000x64xf32, #tpu.memory_space<hbm>> -> memref<100000x64xf32, #tpu.memory_space<hbm>>
      tpu.enqueue_indirect_dma source(%dma_start3A_324 : memref<100000x64xf32, #tpu.memory_space<hbm>>) target(%dma_start3A_318 : memref<100x64xf32, #tpu.memory_space<vmem>>) offsets(%dma_start3A_321 : memref<100xi32, #tpu.memory_space<vmem>>) semaphore(%arg11 : memref<!tpu.dma_semaphore, #tpu.memory_space<semaphore_mem>>)
      %dma_start3A_325 = arith.constant 10 : i32
      %dma_start3A_326 = arith.constant 1006 : i32
      %dma_start3A_327 = arith.constant 0 : i32
      %dma_start3A_328 = tpu.memref_slice %arg8[%dma_start3A_326, %dma_start3A_327] : memref<1608x64xf32, #tpu.memory_space<vmem>> -> memref<100x64xf32, #tpu.memory_space<vmem>>
      %dma_start3A_329 = arith.constant 0 : i32
      %dma_start3A_330 = tpu.memref_slice %arg7[%dma_start3A_325, %dma_start3A_329] : memref<16x100xi32, #tpu.memory_space<vmem>> -> memref<1x100xi32, #tpu.memory_space<vmem>>
      %dma_start3A_331 = tpu.memref_squeeze %dma_start3A_330 : memref<1x100xi32, #tpu.memory_space<vmem>> -> memref<100xi32, #tpu.memory_space<vmem>>
      %dma_start3A_332 = arith.constant 0 : i32
      %dma_start3A_333 = arith.constant 0 : i32
      %dma_start3A_334 = tpu.memref_slice %arg3[%dma_start3A_332, %dma_start3A_333] : memref<100000x64xf32, #tpu.memory_space<hbm>> -> memref<100000x64xf32, #tpu.memory_space<hbm>>
      tpu.enqueue_indirect_dma source(%dma_start3A_334 : memref<100000x64xf32, #tpu.memory_space<hbm>>) target(%dma_start3A_328 : memref<100x64xf32, #tpu.memory_space<vmem>>) offsets(%dma_start3A_331 : memref<100xi32, #tpu.memory_space<vmem>>) semaphore(%arg11 : memref<!tpu.dma_semaphore, #tpu.memory_space<semaphore_mem>>)
      %dma_start3A_335 = arith.constant 11 : i32
      %dma_start3A_336 = arith.constant 1106 : i32
      %dma_start3A_337 = arith.constant 0 : i32
      %dma_start3A_338 = tpu.memref_slice %arg8[%dma_start3A_336, %dma_start3A_337] : memref<1608x64xf32, #tpu.memory_space<vmem>> -> memref<100x64xf32, #tpu.memory_space<vmem>>
      %dma_start3A_339 = arith.constant 0 : i32
      %dma_start3A_340 = tpu.memref_slice %arg7[%dma_start3A_335, %dma_start3A_339] : memref<16x100xi32, #tpu.memory_space<vmem>> -> memref<1x100xi32, #tpu.memory_space<vmem>>
      %dma_start3A_341 = tpu.memref_squeeze %dma_start3A_340 : memref<1x100xi32, #tpu.memory_space<vmem>> -> memref<100xi32, #tpu.memory_space<vmem>>
      %dma_start3A_342 = arith.constant 0 : i32
      %dma_start3A_343 = arith.constant 0 : i32
      %dma_start3A_344 = tpu.memref_slice %arg3[%dma_start3A_342, %dma_start3A_343] : memref<100000x64xf32, #tpu.memory_space<hbm>> -> memref<100000x64xf32, #tpu.memory_space<hbm>>
      tpu.enqueue_indirect_dma source(%dma_start3A_344 : memref<100000x64xf32, #tpu.memory_space<hbm>>) target(%dma_start3A_338 : memref<100x64xf32, #tpu.memory_space<vmem>>) offsets(%dma_start3A_341 : memref<100xi32, #tpu.memory_space<vmem>>) semaphore(%arg11 : memref<!tpu.dma_semaphore, #tpu.memory_space<semaphore_mem>>)
      %dma_start3A_345 = arith.constant 12 : i32
      %dma_start3A_346 = arith.constant 1207 : i32
      %dma_start3A_347 = arith.constant 0 : i32
      %dma_start3A_348 = tpu.memref_slice %arg8[%dma_start3A_346, %dma_start3A_347] : memref<1608x64xf32, #tpu.memory_space<vmem>> -> memref<100x64xf32, #tpu.memory_space<vmem>>
      %dma_start3A_349 = arith.constant 0 : i32
      %dma_start3A_350 = tpu.memref_slice %arg7[%dma_start3A_345, %dma_start3A_349] : memref<16x100xi32, #tpu.memory_space<vmem>> -> memref<1x100xi32, #tpu.memory_space<vmem>>
      %dma_start3A_351 = tpu.memref_squeeze %dma_start3A_350 : memref<1x100xi32, #tpu.memory_space<vmem>> -> memref<100xi32, #tpu.memory_space<vmem>>
      %dma_start3A_352 = arith.constant 0 : i32
      %dma_start3A_353 = arith.constant 0 : i32
      %dma_start3A_354 = tpu.memref_slice %arg3[%dma_start3A_352, %dma_start3A_353] : memref<100000x64xf32, #tpu.memory_space<hbm>> -> memref<100000x64xf32, #tpu.memory_space<hbm>>
      tpu.enqueue_indirect_dma source(%dma_start3A_354 : memref<100000x64xf32, #tpu.memory_space<hbm>>) target(%dma_start3A_348 : memref<100x64xf32, #tpu.memory_space<vmem>>) offsets(%dma_start3A_351 : memref<100xi32, #tpu.memory_space<vmem>>) semaphore(%arg11 : memref<!tpu.dma_semaphore, #tpu.memory_space<semaphore_mem>>)
      %dma_start3A_355 = arith.constant 13 : i32
      %dma_start3A_356 = arith.constant 1307 : i32
      %dma_start3A_357 = arith.constant 0 : i32
      %dma_start3A_358 = tpu.memref_slice %arg8[%dma_start3A_356, %dma_start3A_357] : memref<1608x64xf32, #tpu.memory_space<vmem>> -> memref<100x64xf32, #tpu.memory_space<vmem>>
      %dma_start3A_359 = arith.constant 0 : i32
      %dma_start3A_360 = tpu.memref_slice %arg7[%dma_start3A_355, %dma_start3A_359] : memref<16x100xi32, #tpu.memory_space<vmem>> -> memref<1x100xi32, #tpu.memory_space<vmem>>
      %dma_start3A_361 = tpu.memref_squeeze %dma_start3A_360 : memref<1x100xi32, #tpu.memory_space<vmem>> -> memref<100xi32, #tpu.memory_space<vmem>>
      %dma_start3A_362 = arith.constant 0 : i32
      %dma_start3A_363 = arith.constant 0 : i32
      %dma_start3A_364 = tpu.memref_slice %arg3[%dma_start3A_362, %dma_start3A_363] : memref<100000x64xf32, #tpu.memory_space<hbm>> -> memref<100000x64xf32, #tpu.memory_space<hbm>>
      tpu.enqueue_indirect_dma source(%dma_start3A_364 : memref<100000x64xf32, #tpu.memory_space<hbm>>) target(%dma_start3A_358 : memref<100x64xf32, #tpu.memory_space<vmem>>) offsets(%dma_start3A_361 : memref<100xi32, #tpu.memory_space<vmem>>) semaphore(%arg11 : memref<!tpu.dma_semaphore, #tpu.memory_space<semaphore_mem>>)
      %dma_start3A_365 = arith.constant 14 : i32
      %dma_start3A_366 = arith.constant 1408 : i32
      %dma_start3A_367 = arith.constant 0 : i32
      %dma_start3A_368 = tpu.memref_slice %arg8[%dma_start3A_366, %dma_start3A_367] : memref<1608x64xf32, #tpu.memory_space<vmem>> -> memref<100x64xf32, #tpu.memory_space<vmem>>
      %dma_start3A_369 = arith.constant 0 : i32
      %dma_start3A_370 = tpu.memref_slice %arg7[%dma_start3A_365, %dma_start3A_369] : memref<16x100xi32, #tpu.memory_space<vmem>> -> memref<1x100xi32, #tpu.memory_space<vmem>>
      %dma_start3A_371 = tpu.memref_squeeze %dma_start3A_370 : memref<1x100xi32, #tpu.memory_space<vmem>> -> memref<100xi32, #tpu.memory_space<vmem>>
      %dma_start3A_372 = arith.constant 0 : i32
      %dma_start3A_373 = arith.constant 0 : i32
      %dma_start3A_374 = tpu.memref_slice %arg3[%dma_start3A_372, %dma_start3A_373] : memref<100000x64xf32, #tpu.memory_space<hbm>> -> memref<100000x64xf32, #tpu.memory_space<hbm>>
      tpu.enqueue_indirect_dma source(%dma_start3A_374 : memref<100000x64xf32, #tpu.memory_space<hbm>>) target(%dma_start3A_368 : memref<100x64xf32, #tpu.memory_space<vmem>>) offsets(%dma_start3A_371 : memref<100xi32, #tpu.memory_space<vmem>>) semaphore(%arg11 : memref<!tpu.dma_semaphore, #tpu.memory_space<semaphore_mem>>)
      %dma_start3A_375 = arith.constant 15 : i32
      %dma_start3A_376 = arith.constant 1508 : i32
      %dma_start3A_377 = arith.constant 0 : i32
      %dma_start3A_378 = tpu.memref_slice %arg8[%dma_start3A_376, %dma_start3A_377] : memref<1608x64xf32, #tpu.memory_space<vmem>> -> memref<100x64xf32, #tpu.memory_space<vmem>>
      %dma_start3A_379 = arith.constant 0 : i32
      %dma_start3A_380 = tpu.memref_slice %arg7[%dma_start3A_375, %dma_start3A_379] : memref<16x100xi32, #tpu.memory_space<vmem>> -> memref<1x100xi32, #tpu.memory_space<vmem>>
      %dma_start3A_381 = tpu.memref_squeeze %dma_start3A_380 : memref<1x100xi32, #tpu.memory_space<vmem>> -> memref<100xi32, #tpu.memory_space<vmem>>
      %dma_start3A_382 = arith.constant 0 : i32
      %dma_start3A_383 = arith.constant 0 : i32
      %dma_start3A_384 = tpu.memref_slice %arg3[%dma_start3A_382, %dma_start3A_383] : memref<100000x64xf32, #tpu.memory_space<hbm>> -> memref<100000x64xf32, #tpu.memory_space<hbm>>
      tpu.enqueue_indirect_dma source(%dma_start3A_384 : memref<100000x64xf32, #tpu.memory_space<hbm>>) target(%dma_start3A_378 : memref<100x64xf32, #tpu.memory_space<vmem>>) offsets(%dma_start3A_381 : memref<100xi32, #tpu.memory_space<vmem>>) semaphore(%arg11 : memref<!tpu.dma_semaphore, #tpu.memory_space<semaphore_mem>>)
      %dma_wait3A = arith.constant 0 : i32
      %dma_wait3A_385 = arith.constant 1 : i32
      %dma_wait3A_386 = arith.constant 0 : i32
      %dma_wait3A_387 = tpu.memref_slice %arg8[%dma_wait3A_385, %dma_wait3A_386] : memref<1608x64xf32, #tpu.memory_space<vmem>> -> memref<100x64xf32, #tpu.memory_space<vmem>>
      %dma_wait3A_388 = arith.constant 0 : i32
      %dma_wait3A_389 = tpu.memref_slice %arg7[%dma_wait3A, %dma_wait3A_388] : memref<16x100xi32, #tpu.memory_space<vmem>> -> memref<1x100xi32, #tpu.memory_space<vmem>>
      %dma_wait3A_390 = tpu.memref_squeeze %dma_wait3A_389 : memref<1x100xi32, #tpu.memory_space<vmem>> -> memref<100xi32, #tpu.memory_space<vmem>>
      %dma_wait3A_391 = arith.constant 0 : i32
      %dma_wait3A_392 = arith.constant 0 : i32
      %dma_wait3A_393 = tpu.memref_slice %arg3[%dma_wait3A_391, %dma_wait3A_392] : memref<100000x64xf32, #tpu.memory_space<hbm>> -> memref<100000x64xf32, #tpu.memory_space<hbm>>
      tpu.wait_indirect_dma semaphore(%arg11 : memref<!tpu.dma_semaphore, #tpu.memory_space<semaphore_mem>>) src(%dma_wait3A_393 : memref<100000x64xf32, #tpu.memory_space<hbm>>) dst(%dma_wait3A_387 : memref<100x64xf32, #tpu.memory_space<vmem>>)
      %dma_wait3A_394 = arith.constant 1 : i32
      %dma_wait3A_395 = arith.constant 101 : i32
      %dma_wait3A_396 = arith.constant 0 : i32
      %dma_wait3A_397 = tpu.memref_slice %arg8[%dma_wait3A_395, %dma_wait3A_396] : memref<1608x64xf32, #tpu.memory_space<vmem>> -> memref<100x64xf32, #tpu.memory_space<vmem>>
      %dma_wait3A_398 = arith.constant 0 : i32
      %dma_wait3A_399 = tpu.memref_slice %arg7[%dma_wait3A_394, %dma_wait3A_398] : memref<16x100xi32, #tpu.memory_space<vmem>> -> memref<1x100xi32, #tpu.memory_space<vmem>>
      %dma_wait3A_400 = tpu.memref_squeeze %dma_wait3A_399 : memref<1x100xi32, #tpu.memory_space<vmem>> -> memref<100xi32, #tpu.memory_space<vmem>>
      %dma_wait3A_401 = arith.constant 0 : i32
      %dma_wait3A_402 = arith.constant 0 : i32
      %dma_wait3A_403 = tpu.memref_slice %arg3[%dma_wait3A_401, %dma_wait3A_402] : memref<100000x64xf32, #tpu.memory_space<hbm>> -> memref<100000x64xf32, #tpu.memory_space<hbm>>
      tpu.wait_indirect_dma semaphore(%arg11 : memref<!tpu.dma_semaphore, #tpu.memory_space<semaphore_mem>>) src(%dma_wait3A_403 : memref<100000x64xf32, #tpu.memory_space<hbm>>) dst(%dma_wait3A_397 : memref<100x64xf32, #tpu.memory_space<vmem>>)
      %dma_wait3A_404 = arith.constant 2 : i32
      %dma_wait3A_405 = arith.constant 202 : i32
      %dma_wait3A_406 = arith.constant 0 : i32
      %dma_wait3A_407 = tpu.memref_slice %arg8[%dma_wait3A_405, %dma_wait3A_406] : memref<1608x64xf32, #tpu.memory_space<vmem>> -> memref<100x64xf32, #tpu.memory_space<vmem>>
      %dma_wait3A_408 = arith.constant 0 : i32
      %dma_wait3A_409 = tpu.memref_slice %arg7[%dma_wait3A_404, %dma_wait3A_408] : memref<16x100xi32, #tpu.memory_space<vmem>> -> memref<1x100xi32, #tpu.memory_space<vmem>>
      %dma_wait3A_410 = tpu.memref_squeeze %dma_wait3A_409 : memref<1x100xi32, #tpu.memory_space<vmem>> -> memref<100xi32, #tpu.memory_space<vmem>>
      %dma_wait3A_411 = arith.constant 0 : i32
      %dma_wait3A_412 = arith.constant 0 : i32
      %dma_wait3A_413 = tpu.memref_slice %arg3[%dma_wait3A_411, %dma_wait3A_412] : memref<100000x64xf32, #tpu.memory_space<hbm>> -> memref<100000x64xf32, #tpu.memory_space<hbm>>
      tpu.wait_indirect_dma semaphore(%arg11 : memref<!tpu.dma_semaphore, #tpu.memory_space<semaphore_mem>>) src(%dma_wait3A_413 : memref<100000x64xf32, #tpu.memory_space<hbm>>) dst(%dma_wait3A_407 : memref<100x64xf32, #tpu.memory_space<vmem>>)
      %dma_wait3A_414 = arith.constant 3 : i32
      %dma_wait3A_415 = arith.constant 302 : i32
      %dma_wait3A_416 = arith.constant 0 : i32
      %dma_wait3A_417 = tpu.memref_slice %arg8[%dma_wait3A_415, %dma_wait3A_416] : memref<1608x64xf32, #tpu.memory_space<vmem>> -> memref<100x64xf32, #tpu.memory_space<vmem>>
      %dma_wait3A_418 = arith.constant 0 : i32
      %dma_wait3A_419 = tpu.memref_slice %arg7[%dma_wait3A_414, %dma_wait3A_418] : memref<16x100xi32, #tpu.memory_space<vmem>> -> memref<1x100xi32, #tpu.memory_space<vmem>>
      %dma_wait3A_420 = tpu.memref_squeeze %dma_wait3A_419 : memref<1x100xi32, #tpu.memory_space<vmem>> -> memref<100xi32, #tpu.memory_space<vmem>>
      %dma_wait3A_421 = arith.constant 0 : i32
      %dma_wait3A_422 = arith.constant 0 : i32
      %dma_wait3A_423 = tpu.memref_slice %arg3[%dma_wait3A_421, %dma_wait3A_422] : memref<100000x64xf32, #tpu.memory_space<hbm>> -> memref<100000x64xf32, #tpu.memory_space<hbm>>
      tpu.wait_indirect_dma semaphore(%arg11 : memref<!tpu.dma_semaphore, #tpu.memory_space<semaphore_mem>>) src(%dma_wait3A_423 : memref<100000x64xf32, #tpu.memory_space<hbm>>) dst(%dma_wait3A_417 : memref<100x64xf32, #tpu.memory_space<vmem>>)
      %dma_wait3A_424 = arith.constant 4 : i32
      %dma_wait3A_425 = arith.constant 403 : i32
      %dma_wait3A_426 = arith.constant 0 : i32
      %dma_wait3A_427 = tpu.memref_slice %arg8[%dma_wait3A_425, %dma_wait3A_426] : memref<1608x64xf32, #tpu.memory_space<vmem>> -> memref<100x64xf32, #tpu.memory_space<vmem>>
      %dma_wait3A_428 = arith.constant 0 : i32
      %dma_wait3A_429 = tpu.memref_slice %arg7[%dma_wait3A_424, %dma_wait3A_428] : memref<16x100xi32, #tpu.memory_space<vmem>> -> memref<1x100xi32, #tpu.memory_space<vmem>>
      %dma_wait3A_430 = tpu.memref_squeeze %dma_wait3A_429 : memref<1x100xi32, #tpu.memory_space<vmem>> -> memref<100xi32, #tpu.memory_space<vmem>>
      %dma_wait3A_431 = arith.constant 0 : i32
      %dma_wait3A_432 = arith.constant 0 : i32
      %dma_wait3A_433 = tpu.memref_slice %arg3[%dma_wait3A_431, %dma_wait3A_432] : memref<100000x64xf32, #tpu.memory_space<hbm>> -> memref<100000x64xf32, #tpu.memory_space<hbm>>
      tpu.wait_indirect_dma semaphore(%arg11 : memref<!tpu.dma_semaphore, #tpu.memory_space<semaphore_mem>>) src(%dma_wait3A_433 : memref<100000x64xf32, #tpu.memory_space<hbm>>) dst(%dma_wait3A_427 : memref<100x64xf32, #tpu.memory_space<vmem>>)
      %dma_wait3A_434 = arith.constant 5 : i32
      %dma_wait3A_435 = arith.constant 503 : i32
      %dma_wait3A_436 = arith.constant 0 : i32
      %dma_wait3A_437 = tpu.memref_slice %arg8[%dma_wait3A_435, %dma_wait3A_436] : memref<1608x64xf32, #tpu.memory_space<vmem>> -> memref<100x64xf32, #tpu.memory_space<vmem>>
      %dma_wait3A_438 = arith.constant 0 : i32
      %dma_wait3A_439 = tpu.memref_slice %arg7[%dma_wait3A_434, %dma_wait3A_438] : memref<16x100xi32, #tpu.memory_space<vmem>> -> memref<1x100xi32, #tpu.memory_space<vmem>>
      %dma_wait3A_440 = tpu.memref_squeeze %dma_wait3A_439 : memref<1x100xi32, #tpu.memory_space<vmem>> -> memref<100xi32, #tpu.memory_space<vmem>>
      %dma_wait3A_441 = arith.constant 0 : i32
      %dma_wait3A_442 = arith.constant 0 : i32
      %dma_wait3A_443 = tpu.memref_slice %arg3[%dma_wait3A_441, %dma_wait3A_442] : memref<100000x64xf32, #tpu.memory_space<hbm>> -> memref<100000x64xf32, #tpu.memory_space<hbm>>
      tpu.wait_indirect_dma semaphore(%arg11 : memref<!tpu.dma_semaphore, #tpu.memory_space<semaphore_mem>>) src(%dma_wait3A_443 : memref<100000x64xf32, #tpu.memory_space<hbm>>) dst(%dma_wait3A_437 : memref<100x64xf32, #tpu.memory_space<vmem>>)
      %dma_wait3A_444 = arith.constant 6 : i32
      %dma_wait3A_445 = arith.constant 604 : i32
      %dma_wait3A_446 = arith.constant 0 : i32
      %dma_wait3A_447 = tpu.memref_slice %arg8[%dma_wait3A_445, %dma_wait3A_446] : memref<1608x64xf32, #tpu.memory_space<vmem>> -> memref<100x64xf32, #tpu.memory_space<vmem>>
      %dma_wait3A_448 = arith.constant 0 : i32
      %dma_wait3A_449 = tpu.memref_slice %arg7[%dma_wait3A_444, %dma_wait3A_448] : memref<16x100xi32, #tpu.memory_space<vmem>> -> memref<1x100xi32, #tpu.memory_space<vmem>>
      %dma_wait3A_450 = tpu.memref_squeeze %dma_wait3A_449 : memref<1x100xi32, #tpu.memory_space<vmem>> -> memref<100xi32, #tpu.memory_space<vmem>>
      %dma_wait3A_451 = arith.constant 0 : i32
      %dma_wait3A_452 = arith.constant 0 : i32
      %dma_wait3A_453 = tpu.memref_slice %arg3[%dma_wait3A_451, %dma_wait3A_452] : memref<100000x64xf32, #tpu.memory_space<hbm>> -> memref<100000x64xf32, #tpu.memory_space<hbm>>
      tpu.wait_indirect_dma semaphore(%arg11 : memref<!tpu.dma_semaphore, #tpu.memory_space<semaphore_mem>>) src(%dma_wait3A_453 : memref<100000x64xf32, #tpu.memory_space<hbm>>) dst(%dma_wait3A_447 : memref<100x64xf32, #tpu.memory_space<vmem>>)
      %dma_wait3A_454 = arith.constant 7 : i32
      %dma_wait3A_455 = arith.constant 704 : i32
      %dma_wait3A_456 = arith.constant 0 : i32
      %dma_wait3A_457 = tpu.memref_slice %arg8[%dma_wait3A_455, %dma_wait3A_456] : memref<1608x64xf32, #tpu.memory_space<vmem>> -> memref<100x64xf32, #tpu.memory_space<vmem>>
      %dma_wait3A_458 = arith.constant 0 : i32
      %dma_wait3A_459 = tpu.memref_slice %arg7[%dma_wait3A_454, %dma_wait3A_458] : memref<16x100xi32, #tpu.memory_space<vmem>> -> memref<1x100xi32, #tpu.memory_space<vmem>>
      %dma_wait3A_460 = tpu.memref_squeeze %dma_wait3A_459 : memref<1x100xi32, #tpu.memory_space<vmem>> -> memref<100xi32, #tpu.memory_space<vmem>>
      %dma_wait3A_461 = arith.constant 0 : i32
      %dma_wait3A_462 = arith.constant 0 : i32
      %dma_wait3A_463 = tpu.memref_slice %arg3[%dma_wait3A_461, %dma_wait3A_462] : memref<100000x64xf32, #tpu.memory_space<hbm>> -> memref<100000x64xf32, #tpu.memory_space<hbm>>
      tpu.wait_indirect_dma semaphore(%arg11 : memref<!tpu.dma_semaphore, #tpu.memory_space<semaphore_mem>>) src(%dma_wait3A_463 : memref<100000x64xf32, #tpu.memory_space<hbm>>) dst(%dma_wait3A_457 : memref<100x64xf32, #tpu.memory_space<vmem>>)
      %dma_wait3A_464 = arith.constant 8 : i32
      %dma_wait3A_465 = arith.constant 805 : i32
      %dma_wait3A_466 = arith.constant 0 : i32
      %dma_wait3A_467 = tpu.memref_slice %arg8[%dma_wait3A_465, %dma_wait3A_466] : memref<1608x64xf32, #tpu.memory_space<vmem>> -> memref<100x64xf32, #tpu.memory_space<vmem>>
      %dma_wait3A_468 = arith.constant 0 : i32
      %dma_wait3A_469 = tpu.memref_slice %arg7[%dma_wait3A_464, %dma_wait3A_468] : memref<16x100xi32, #tpu.memory_space<vmem>> -> memref<1x100xi32, #tpu.memory_space<vmem>>
      %dma_wait3A_470 = tpu.memref_squeeze %dma_wait3A_469 : memref<1x100xi32, #tpu.memory_space<vmem>> -> memref<100xi32, #tpu.memory_space<vmem>>
      %dma_wait3A_471 = arith.constant 0 : i32
      %dma_wait3A_472 = arith.constant 0 : i32
      %dma_wait3A_473 = tpu.memref_slice %arg3[%dma_wait3A_471, %dma_wait3A_472] : memref<100000x64xf32, #tpu.memory_space<hbm>> -> memref<100000x64xf32, #tpu.memory_space<hbm>>
      tpu.wait_indirect_dma semaphore(%arg11 : memref<!tpu.dma_semaphore, #tpu.memory_space<semaphore_mem>>) src(%dma_wait3A_473 : memref<100000x64xf32, #tpu.memory_space<hbm>>) dst(%dma_wait3A_467 : memref<100x64xf32, #tpu.memory_space<vmem>>)
      %dma_wait3A_474 = arith.constant 9 : i32
      %dma_wait3A_475 = arith.constant 905 : i32
      %dma_wait3A_476 = arith.constant 0 : i32
      %dma_wait3A_477 = tpu.memref_slice %arg8[%dma_wait3A_475, %dma_wait3A_476] : memref<1608x64xf32, #tpu.memory_space<vmem>> -> memref<100x64xf32, #tpu.memory_space<vmem>>
      %dma_wait3A_478 = arith.constant 0 : i32
      %dma_wait3A_479 = tpu.memref_slice %arg7[%dma_wait3A_474, %dma_wait3A_478] : memref<16x100xi32, #tpu.memory_space<vmem>> -> memref<1x100xi32, #tpu.memory_space<vmem>>
      %dma_wait3A_480 = tpu.memref_squeeze %dma_wait3A_479 : memref<1x100xi32, #tpu.memory_space<vmem>> -> memref<100xi32, #tpu.memory_space<vmem>>
      %dma_wait3A_481 = arith.constant 0 : i32
      %dma_wait3A_482 = arith.constant 0 : i32
      %dma_wait3A_483 = tpu.memref_slice %arg3[%dma_wait3A_481, %dma_wait3A_482] : memref<100000x64xf32, #tpu.memory_space<hbm>> -> memref<100000x64xf32, #tpu.memory_space<hbm>>
      tpu.wait_indirect_dma semaphore(%arg11 : memref<!tpu.dma_semaphore, #tpu.memory_space<semaphore_mem>>) src(%dma_wait3A_483 : memref<100000x64xf32, #tpu.memory_space<hbm>>) dst(%dma_wait3A_477 : memref<100x64xf32, #tpu.memory_space<vmem>>)
      %dma_wait3A_484 = arith.constant 10 : i32
      %dma_wait3A_485 = arith.constant 1006 : i32
      %dma_wait3A_486 = arith.constant 0 : i32
      %dma_wait3A_487 = tpu.memref_slice %arg8[%dma_wait3A_485, %dma_wait3A_486] : memref<1608x64xf32, #tpu.memory_space<vmem>> -> memref<100x64xf32, #tpu.memory_space<vmem>>
      %dma_wait3A_488 = arith.constant 0 : i32
      %dma_wait3A_489 = tpu.memref_slice %arg7[%dma_wait3A_484, %dma_wait3A_488] : memref<16x100xi32, #tpu.memory_space<vmem>> -> memref<1x100xi32, #tpu.memory_space<vmem>>
      %dma_wait3A_490 = tpu.memref_squeeze %dma_wait3A_489 : memref<1x100xi32, #tpu.memory_space<vmem>> -> memref<100xi32, #tpu.memory_space<vmem>>
      %dma_wait3A_491 = arith.constant 0 : i32
      %dma_wait3A_492 = arith.constant 0 : i32
      %dma_wait3A_493 = tpu.memref_slice %arg3[%dma_wait3A_491, %dma_wait3A_492] : memref<100000x64xf32, #tpu.memory_space<hbm>> -> memref<100000x64xf32, #tpu.memory_space<hbm>>
      tpu.wait_indirect_dma semaphore(%arg11 : memref<!tpu.dma_semaphore, #tpu.memory_space<semaphore_mem>>) src(%dma_wait3A_493 : memref<100000x64xf32, #tpu.memory_space<hbm>>) dst(%dma_wait3A_487 : memref<100x64xf32, #tpu.memory_space<vmem>>)
      %dma_wait3A_494 = arith.constant 11 : i32
      %dma_wait3A_495 = arith.constant 1106 : i32
      %dma_wait3A_496 = arith.constant 0 : i32
      %dma_wait3A_497 = tpu.memref_slice %arg8[%dma_wait3A_495, %dma_wait3A_496] : memref<1608x64xf32, #tpu.memory_space<vmem>> -> memref<100x64xf32, #tpu.memory_space<vmem>>
      %dma_wait3A_498 = arith.constant 0 : i32
      %dma_wait3A_499 = tpu.memref_slice %arg7[%dma_wait3A_494, %dma_wait3A_498] : memref<16x100xi32, #tpu.memory_space<vmem>> -> memref<1x100xi32, #tpu.memory_space<vmem>>
      %dma_wait3A_500 = tpu.memref_squeeze %dma_wait3A_499 : memref<1x100xi32, #tpu.memory_space<vmem>> -> memref<100xi32, #tpu.memory_space<vmem>>
      %dma_wait3A_501 = arith.constant 0 : i32
      %dma_wait3A_502 = arith.constant 0 : i32
      %dma_wait3A_503 = tpu.memref_slice %arg3[%dma_wait3A_501, %dma_wait3A_502] : memref<100000x64xf32, #tpu.memory_space<hbm>> -> memref<100000x64xf32, #tpu.memory_space<hbm>>
      tpu.wait_indirect_dma semaphore(%arg11 : memref<!tpu.dma_semaphore, #tpu.memory_space<semaphore_mem>>) src(%dma_wait3A_503 : memref<100000x64xf32, #tpu.memory_space<hbm>>) dst(%dma_wait3A_497 : memref<100x64xf32, #tpu.memory_space<vmem>>)
      %dma_wait3A_504 = arith.constant 12 : i32
      %dma_wait3A_505 = arith.constant 1207 : i32
      %dma_wait3A_506 = arith.constant 0 : i32
      %dma_wait3A_507 = tpu.memref_slice %arg8[%dma_wait3A_505, %dma_wait3A_506] : memref<1608x64xf32, #tpu.memory_space<vmem>> -> memref<100x64xf32, #tpu.memory_space<vmem>>
      %dma_wait3A_508 = arith.constant 0 : i32
      %dma_wait3A_509 = tpu.memref_slice %arg7[%dma_wait3A_504, %dma_wait3A_508] : memref<16x100xi32, #tpu.memory_space<vmem>> -> memref<1x100xi32, #tpu.memory_space<vmem>>
      %dma_wait3A_510 = tpu.memref_squeeze %dma_wait3A_509 : memref<1x100xi32, #tpu.memory_space<vmem>> -> memref<100xi32, #tpu.memory_space<vmem>>
      %dma_wait3A_511 = arith.constant 0 : i32
      %dma_wait3A_512 = arith.constant 0 : i32
      %dma_wait3A_513 = tpu.memref_slice %arg3[%dma_wait3A_511, %dma_wait3A_512] : memref<100000x64xf32, #tpu.memory_space<hbm>> -> memref<100000x64xf32, #tpu.memory_space<hbm>>
      tpu.wait_indirect_dma semaphore(%arg11 : memref<!tpu.dma_semaphore, #tpu.memory_space<semaphore_mem>>) src(%dma_wait3A_513 : memref<100000x64xf32, #tpu.memory_space<hbm>>) dst(%dma_wait3A_507 : memref<100x64xf32, #tpu.memory_space<vmem>>)
      %dma_wait3A_514 = arith.constant 13 : i32
      %dma_wait3A_515 = arith.constant 1307 : i32
      %dma_wait3A_516 = arith.constant 0 : i32
      %dma_wait3A_517 = tpu.memref_slice %arg8[%dma_wait3A_515, %dma_wait3A_516] : memref<1608x64xf32, #tpu.memory_space<vmem>> -> memref<100x64xf32, #tpu.memory_space<vmem>>
      %dma_wait3A_518 = arith.constant 0 : i32
      %dma_wait3A_519 = tpu.memref_slice %arg7[%dma_wait3A_514, %dma_wait3A_518] : memref<16x100xi32, #tpu.memory_space<vmem>> -> memref<1x100xi32, #tpu.memory_space<vmem>>
      %dma_wait3A_520 = tpu.memref_squeeze %dma_wait3A_519 : memref<1x100xi32, #tpu.memory_space<vmem>> -> memref<100xi32, #tpu.memory_space<vmem>>
      %dma_wait3A_521 = arith.constant 0 : i32
      %dma_wait3A_522 = arith.constant 0 : i32
      %dma_wait3A_523 = tpu.memref_slice %arg3[%dma_wait3A_521, %dma_wait3A_522] : memref<100000x64xf32, #tpu.memory_space<hbm>> -> memref<100000x64xf32, #tpu.memory_space<hbm>>
      tpu.wait_indirect_dma semaphore(%arg11 : memref<!tpu.dma_semaphore, #tpu.memory_space<semaphore_mem>>) src(%dma_wait3A_523 : memref<100000x64xf32, #tpu.memory_space<hbm>>) dst(%dma_wait3A_517 : memref<100x64xf32, #tpu.memory_space<vmem>>)
      %dma_wait3A_524 = arith.constant 14 : i32
      %dma_wait3A_525 = arith.constant 1408 : i32
      %dma_wait3A_526 = arith.constant 0 : i32
      %dma_wait3A_527 = tpu.memref_slice %arg8[%dma_wait3A_525, %dma_wait3A_526] : memref<1608x64xf32, #tpu.memory_space<vmem>> -> memref<100x64xf32, #tpu.memory_space<vmem>>
      %dma_wait3A_528 = arith.constant 0 : i32
      %dma_wait3A_529 = tpu.memref_slice %arg7[%dma_wait3A_524, %dma_wait3A_528] : memref<16x100xi32, #tpu.memory_space<vmem>> -> memref<1x100xi32, #tpu.memory_space<vmem>>
      %dma_wait3A_530 = tpu.memref_squeeze %dma_wait3A_529 : memref<1x100xi32, #tpu.memory_space<vmem>> -> memref<100xi32, #tpu.memory_space<vmem>>
      %dma_wait3A_531 = arith.constant 0 : i32
      %dma_wait3A_532 = arith.constant 0 : i32
      %dma_wait3A_533 = tpu.memref_slice %arg3[%dma_wait3A_531, %dma_wait3A_532] : memref<100000x64xf32, #tpu.memory_space<hbm>> -> memref<100000x64xf32, #tpu.memory_space<hbm>>
      tpu.wait_indirect_dma semaphore(%arg11 : memref<!tpu.dma_semaphore, #tpu.memory_space<semaphore_mem>>) src(%dma_wait3A_533 : memref<100000x64xf32, #tpu.memory_space<hbm>>) dst(%dma_wait3A_527 : memref<100x64xf32, #tpu.memory_space<vmem>>)
      %dma_wait3A_534 = arith.constant 15 : i32
      %dma_wait3A_535 = arith.constant 1508 : i32
      %dma_wait3A_536 = arith.constant 0 : i32
      %dma_wait3A_537 = tpu.memref_slice %arg8[%dma_wait3A_535, %dma_wait3A_536] : memref<1608x64xf32, #tpu.memory_space<vmem>> -> memref<100x64xf32, #tpu.memory_space<vmem>>
      %dma_wait3A_538 = arith.constant 0 : i32
      %dma_wait3A_539 = tpu.memref_slice %arg7[%dma_wait3A_534, %dma_wait3A_538] : memref<16x100xi32, #tpu.memory_space<vmem>> -> memref<1x100xi32, #tpu.memory_space<vmem>>
      %dma_wait3A_540 = tpu.memref_squeeze %dma_wait3A_539 : memref<1x100xi32, #tpu.memory_space<vmem>> -> memref<100xi32, #tpu.memory_space<vmem>>
      %dma_wait3A_541 = arith.constant 0 : i32
      %dma_wait3A_542 = arith.constant 0 : i32
      %dma_wait3A_543 = tpu.memref_slice %arg3[%dma_wait3A_541, %dma_wait3A_542] : memref<100000x64xf32, #tpu.memory_space<hbm>> -> memref<100000x64xf32, #tpu.memory_space<hbm>>
      tpu.wait_indirect_dma semaphore(%arg11 : memref<!tpu.dma_semaphore, #tpu.memory_space<semaphore_mem>>) src(%dma_wait3A_543 : memref<100000x64xf32, #tpu.memory_space<hbm>>) dst(%dma_wait3A_537 : memref<100x64xf32, #tpu.memory_space<vmem>>)
      %scan3A_544 = arith.constant 0 : i32
      %scan3A_545 = arith.constant 0 : i32
      %scan3A_546 = arith.constant 200 : i32
      %scan3A_547 = arith.addi %scan3A_545, %scan3A_546 : i32
      %scan3A_548 = arith.constant 1 : i32
      %scan3A_549 = scf.for %scan3A_554 = %scan3A_545 to %scan3A_547 step %scan3A_548 iter_args(%scan3A_555 = %scan3A_544) -> (i32)  : i32 {
        %get3A_556 = arith.index_cast %scan3A_554 : i32 to index
        %get3A_557 = arith.constant 0 : index
        %get3A_558 = tpu.vector_load %arg9[%get3A_556, %get3A_557] {strides = array<i32>} : memref<200x64xf32, #tpu.memory_space<vmem>>, vector<1x16xf32>,
        %get3A_559 = vector.shape_cast %get3A_558 : vector<1x16xf32> to vector<16xf32>
        %add3A_560 = arith.constant 1 : i32
        %add3A_561 = arith.addi %add3A_560, %scan3A_554 : i32
        %get3A_562 = arith.index_cast %add3A_561 : i32 to index
        %get3A_563 = arith.constant 0 : index
        %get3A_564 = tpu.vector_load %arg8[%get3A_562, %get3A_563] {strides = array<i32>} : memref<1608x64xf32, #tpu.memory_space<vmem>>, vector<1x16xf32>,
        %get3A_565 = vector.shape_cast %get3A_564 : vector<1x16xf32> to vector<16xf32>
        %add3A_566 = arith.addf %get3A_565, %get3A_559 : vector<16xf32>
        %swap3A_567 = arith.index_cast %add3A_561 : i32 to index
        %swap3A_568 = arith.constant 0 : index
        %swap3A_569 = tpu.vector_load %arg8[%swap3A_567, %swap3A_568] {strides = array<i32>} : memref<1608x64xf32, #tpu.memory_space<vmem>>, vector<1x16xf32>,
        %swap3A_570 = vector.shape_cast %swap3A_569 : vector<1x16xf32> to vector<16xf32>
        %swap3A_571 = vector.shape_cast %add3A_566 : vector<16xf32> to vector<1x16xf32>
        tpu.vector_store %arg8[%swap3A_567, %swap3A_568], %swap3A_571 {strides = array<i32>} : memref<1608x64xf32, #tpu.memory_space<vmem>>, vector<1x16xf32>,
        %add3A_572 = arith.constant 202 : i32
        %add3A_573 = arith.addi %add3A_572, %scan3A_554 : i32
        %get3A_574 = arith.index_cast %add3A_573 : i32 to index
        %get3A_575 = arith.constant 0 : index
        %get3A_576 = tpu.vector_load %arg8[%get3A_574, %get3A_575] {strides = array<i32>} : memref<1608x64xf32, #tpu.memory_space<vmem>>, vector<1x16xf32>,
        %get3A_577 = vector.shape_cast %get3A_576 : vector<1x16xf32> to vector<16xf32>
        %add3A_578 = arith.addf %get3A_577, %get3A_559 : vector<16xf32>
        %swap3A_579 = arith.index_cast %add3A_573 : i32 to index
        %swap3A_580 = arith.constant 0 : index
        %swap3A_581 = tpu.vector_load %arg8[%swap3A_579, %swap3A_580] {strides = array<i32>} : memref<1608x64xf32, #tpu.memory_space<vmem>>, vector<1x16xf32>,
        %swap3A_582 = vector.shape_cast %swap3A_581 : vector<1x16xf32> to vector<16xf32>
        %swap3A_583 = vector.shape_cast %add3A_578 : vector<16xf32> to vector<1x16xf32>
        tpu.vector_store %arg8[%swap3A_579, %swap3A_580], %swap3A_583 {strides = array<i32>} : memref<1608x64xf32, #tpu.memory_space<vmem>>, vector<1x16xf32>,
        %add3A_584 = arith.constant 403 : i32
        %add3A_585 = arith.addi %add3A_584, %scan3A_554 : i32
        %get3A_586 = arith.index_cast %add3A_585 : i32 to index
        %get3A_587 = arith.constant 0 : index
        %get3A_588 = tpu.vector_load %arg8[%get3A_586, %get3A_587] {strides = array<i32>} : memref<1608x64xf32, #tpu.memory_space<vmem>>, vector<1x16xf32>,
        %get3A_589 = vector.shape_cast %get3A_588 : vector<1x16xf32> to vector<16xf32>
        %add3A_590 = arith.addf %get3A_589, %get3A_559 : vector<16xf32>
        %swap3A_591 = arith.index_cast %add3A_585 : i32 to index
        %swap3A_592 = arith.constant 0 : index
        %swap3A_593 = tpu.vector_load %arg8[%swap3A_591, %swap3A_592] {strides = array<i32>} : memref<1608x64xf32, #tpu.memory_space<vmem>>, vector<1x16xf32>,
        %swap3A_594 = vector.shape_cast %swap3A_593 : vector<1x16xf32> to vector<16xf32>
        %swap3A_595 = vector.shape_cast %add3A_590 : vector<16xf32> to vector<1x16xf32>
        tpu.vector_store %arg8[%swap3A_591, %swap3A_592], %swap3A_595 {strides = array<i32>} : memref<1608x64xf32, #tpu.memory_space<vmem>>, vector<1x16xf32>,
        %add3A_596 = arith.constant 604 : i32
        %add3A_597 = arith.addi %add3A_596, %scan3A_554 : i32
        %get3A_598 = arith.index_cast %add3A_597 : i32 to index
        %get3A_599 = arith.constant 0 : index
        %get3A_600 = tpu.vector_load %arg8[%get3A_598, %get3A_599] {strides = array<i32>} : memref<1608x64xf32, #tpu.memory_space<vmem>>, vector<1x16xf32>,
        %get3A_601 = vector.shape_cast %get3A_600 : vector<1x16xf32> to vector<16xf32>
        %add3A_602 = arith.addf %get3A_601, %get3A_559 : vector<16xf32>
        %swap3A_603 = arith.index_cast %add3A_597 : i32 to index
        %swap3A_604 = arith.constant 0 : index
        %swap3A_605 = tpu.vector_load %arg8[%swap3A_603, %swap3A_604] {strides = array<i32>} : memref<1608x64xf32, #tpu.memory_space<vmem>>, vector<1x16xf32>,
        %swap3A_606 = vector.shape_cast %swap3A_605 : vector<1x16xf32> to vector<16xf32>
        %swap3A_607 = vector.shape_cast %add3A_602 : vector<16xf32> to vector<1x16xf32>
        tpu.vector_store %arg8[%swap3A_603, %swap3A_604], %swap3A_607 {strides = array<i32>} : memref<1608x64xf32, #tpu.memory_space<vmem>>, vector<1x16xf32>,
        %add3A_608 = arith.constant 805 : i32
        %add3A_609 = arith.addi %add3A_608, %scan3A_554 : i32
        %get3A_610 = arith.index_cast %add3A_609 : i32 to index
        %get3A_611 = arith.constant 0 : index
        %get3A_612 = tpu.vector_load %arg8[%get3A_610, %get3A_611] {strides = array<i32>} : memref<1608x64xf32, #tpu.memory_space<vmem>>, vector<1x16xf32>,
        %get3A_613 = vector.shape_cast %get3A_612 : vector<1x16xf32> to vector<16xf32>
        %add3A_614 = arith.addf %get3A_613, %get3A_559 : vector<16xf32>
        %swap3A_615 = arith.index_cast %add3A_609 : i32 to index
        %swap3A_616 = arith.constant 0 : index
        %swap3A_617 = tpu.vector_load %arg8[%swap3A_615, %swap3A_616] {strides = array<i32>} : memref<1608x64xf32, #tpu.memory_space<vmem>>, vector<1x16xf32>,
        %swap3A_618 = vector.shape_cast %swap3A_617 : vector<1x16xf32> to vector<16xf32>
        %swap3A_619 = vector.shape_cast %add3A_614 : vector<16xf32> to vector<1x16xf32>
        tpu.vector_store %arg8[%swap3A_615, %swap3A_616], %swap3A_619 {strides = array<i32>} : memref<1608x64xf32, #tpu.memory_space<vmem>>, vector<1x16xf32>,
        %add3A_620 = arith.constant 1006 : i32
        %add3A_621 = arith.addi %add3A_620, %scan3A_554 : i32
        %get3A_622 = arith.index_cast %add3A_621 : i32 to index
        %get3A_623 = arith.constant 0 : index
        %get3A_624 = tpu.vector_load %arg8[%get3A_622, %get3A_623] {strides = array<i32>} : memref<1608x64xf32, #tpu.memory_space<vmem>>, vector<1x16xf32>,
        %get3A_625 = vector.shape_cast %get3A_624 : vector<1x16xf32> to vector<16xf32>
        %add3A_626 = arith.addf %get3A_625, %get3A_559 : vector<16xf32>
        %swap3A_627 = arith.index_cast %add3A_621 : i32 to index
        %swap3A_628 = arith.constant 0 : index
        %swap3A_629 = tpu.vector_load %arg8[%swap3A_627, %swap3A_628] {strides = array<i32>} : memref<1608x64xf32, #tpu.memory_space<vmem>>, vector<1x16xf32>,
        %swap3A_630 = vector.shape_cast %swap3A_629 : vector<1x16xf32> to vector<16xf32>
        %swap3A_631 = vector.shape_cast %add3A_626 : vector<16xf32> to vector<1x16xf32>
        tpu.vector_store %arg8[%swap3A_627, %swap3A_628], %swap3A_631 {strides = array<i32>} : memref<1608x64xf32, #tpu.memory_space<vmem>>, vector<1x16xf32>,
        %add3A_632 = arith.constant 1207 : i32
        %add3A_633 = arith.addi %add3A_632, %scan3A_554 : i32
        %get3A_634 = arith.index_cast %add3A_633 : i32 to index
        %get3A_635 = arith.constant 0 : index
        %get3A_636 = tpu.vector_load %arg8[%get3A_634, %get3A_635] {strides = array<i32>} : memref<1608x64xf32, #tpu.memory_space<vmem>>, vector<1x16xf32>,
        %get3A_637 = vector.shape_cast %get3A_636 : vector<1x16xf32> to vector<16xf32>
        %add3A_638 = arith.addf %get3A_637, %get3A_559 : vector<16xf32>
        %swap3A_639 = arith.index_cast %add3A_633 : i32 to index
        %swap3A_640 = arith.constant 0 : index
        %swap3A_641 = tpu.vector_load %arg8[%swap3A_639, %swap3A_640] {strides = array<i32>} : memref<1608x64xf32, #tpu.memory_space<vmem>>, vector<1x16xf32>,
        %swap3A_642 = vector.shape_cast %swap3A_641 : vector<1x16xf32> to vector<16xf32>
        %swap3A_643 = vector.shape_cast %add3A_638 : vector<16xf32> to vector<1x16xf32>
        tpu.vector_store %arg8[%swap3A_639, %swap3A_640], %swap3A_643 {strides = array<i32>} : memref<1608x64xf32, #tpu.memory_space<vmem>>, vector<1x16xf32>,
        %add3A_644 = arith.constant 1408 : i32
        %add3A_645 = arith.addi %add3A_644, %scan3A_554 : i32
        %get3A_646 = arith.index_cast %add3A_645 : i32 to index
        %get3A_647 = arith.constant 0 : index
        %get3A_648 = tpu.vector_load %arg8[%get3A_646, %get3A_647] {strides = array<i32>} : memref<1608x64xf32, #tpu.memory_space<vmem>>, vector<1x16xf32>,
        %get3A_649 = vector.shape_cast %get3A_648 : vector<1x16xf32> to vector<16xf32>
        %add3A_650 = arith.addf %get3A_649, %get3A_559 : vector<16xf32>
        %swap3A_651 = arith.index_cast %add3A_645 : i32 to index
        %swap3A_652 = arith.constant 0 : index
        %swap3A_653 = tpu.vector_load %arg8[%swap3A_651, %swap3A_652] {strides = array<i32>} : memref<1608x64xf32, #tpu.memory_space<vmem>>, vector<1x16xf32>,
        %swap3A_654 = vector.shape_cast %swap3A_653 : vector<1x16xf32> to vector<16xf32>
        %swap3A_655 = vector.shape_cast %add3A_650 : vector<16xf32> to vector<1x16xf32>
        tpu.vector_store %arg8[%swap3A_651, %swap3A_652], %swap3A_655 {strides = array<i32>} : memref<1608x64xf32, #tpu.memory_space<vmem>>, vector<1x16xf32>,
        %get3A_656 = arith.index_cast %scan3A_554 : i32 to index
        %get3A_657 = arith.constant 16 : index
        %get3A_658 = tpu.vector_load %arg9[%get3A_656, %get3A_657] {strides = array<i32>} : memref<200x64xf32, #tpu.memory_space<vmem>>, vector<1x16xf32>,
        %get3A_659 = vector.shape_cast %get3A_658 : vector<1x16xf32> to vector<16xf32>
        %add3A_660 = arith.constant 1 : i32
        %add3A_661 = arith.addi %add3A_660, %scan3A_554 : i32
        %get3A_662 = arith.index_cast %add3A_661 : i32 to index
        %get3A_663 = arith.constant 16 : index
        %get3A_664 = tpu.vector_load %arg8[%get3A_662, %get3A_663] {strides = array<i32>} : memref<1608x64xf32, #tpu.memory_space<vmem>>, vector<1x16xf32>,
        %get3A_665 = vector.shape_cast %get3A_664 : vector<1x16xf32> to vector<16xf32>
        %add3A_666 = arith.addf %get3A_665, %get3A_659 : vector<16xf32>
        %swap3A_667 = arith.index_cast %add3A_661 : i32 to index
        %swap3A_668 = arith.constant 16 : index
        %swap3A_669 = tpu.vector_load %arg8[%swap3A_667, %swap3A_668] {strides = array<i32>} : memref<1608x64xf32, #tpu.memory_space<vmem>>, vector<1x16xf32>,
        %swap3A_670 = vector.shape_cast %swap3A_669 : vector<1x16xf32> to vector<16xf32>
        %swap3A_671 = vector.shape_cast %add3A_666 : vector<16xf32> to vector<1x16xf32>
        tpu.vector_store %arg8[%swap3A_667, %swap3A_668], %swap3A_671 {strides = array<i32>} : memref<1608x64xf32, #tpu.memory_space<vmem>>, vector<1x16xf32>,
        %add3A_672 = arith.constant 202 : i32
        %add3A_673 = arith.addi %add3A_672, %scan3A_554 : i32
        %get3A_674 = arith.index_cast %add3A_673 : i32 to index
        %get3A_675 = arith.constant 16 : index
        %get3A_676 = tpu.vector_load %arg8[%get3A_674, %get3A_675] {strides = array<i32>} : memref<1608x64xf32, #tpu.memory_space<vmem>>, vector<1x16xf32>,
        %get3A_677 = vector.shape_cast %get3A_676 : vector<1x16xf32> to vector<16xf32>
        %add3A_678 = arith.addf %get3A_677, %get3A_659 : vector<16xf32>
        %swap3A_679 = arith.index_cast %add3A_673 : i32 to index
        %swap3A_680 = arith.constant 16 : index
        %swap3A_681 = tpu.vector_load %arg8[%swap3A_679, %swap3A_680] {strides = array<i32>} : memref<1608x64xf32, #tpu.memory_space<vmem>>, vector<1x16xf32>,
        %swap3A_682 = vector.shape_cast %swap3A_681 : vector<1x16xf32> to vector<16xf32>
        %swap3A_683 = vector.shape_cast %add3A_678 : vector<16xf32> to vector<1x16xf32>
        tpu.vector_store %arg8[%swap3A_679, %swap3A_680], %swap3A_683 {strides = array<i32>} : memref<1608x64xf32, #tpu.memory_space<vmem>>, vector<1x16xf32>,
        %add3A_684 = arith.constant 403 : i32
        %add3A_685 = arith.addi %add3A_684, %scan3A_554 : i32
        %get3A_686 = arith.index_cast %add3A_685 : i32 to index
        %get3A_687 = arith.constant 16 : index
        %get3A_688 = tpu.vector_load %arg8[%get3A_686, %get3A_687] {strides = array<i32>} : memref<1608x64xf32, #tpu.memory_space<vmem>>, vector<1x16xf32>,
        %get3A_689 = vector.shape_cast %get3A_688 : vector<1x16xf32> to vector<16xf32>
        %add3A_690 = arith.addf %get3A_689, %get3A_659 : vector<16xf32>
        %swap3A_691 = arith.index_cast %add3A_685 : i32 to index
        %swap3A_692 = arith.constant 16 : index
        %swap3A_693 = tpu.vector_load %arg8[%swap3A_691, %swap3A_692] {strides = array<i32>} : memref<1608x64xf32, #tpu.memory_space<vmem>>, vector<1x16xf32>,
        %swap3A_694 = vector.shape_cast %swap3A_693 : vector<1x16xf32> to vector<16xf32>
        %swap3A_695 = vector.shape_cast %add3A_690 : vector<16xf32> to vector<1x16xf32>
        tpu.vector_store %arg8[%swap3A_691, %swap3A_692], %swap3A_695 {strides = array<i32>} : memref<1608x64xf32, #tpu.memory_space<vmem>>, vector<1x16xf32>,
        %add3A_696 = arith.constant 604 : i32
        %add3A_697 = arith.addi %add3A_696, %scan3A_554 : i32
        %get3A_698 = arith.index_cast %add3A_697 : i32 to index
        %get3A_699 = arith.constant 16 : index
        %get3A_700 = tpu.vector_load %arg8[%get3A_698, %get3A_699] {strides = array<i32>} : memref<1608x64xf32, #tpu.memory_space<vmem>>, vector<1x16xf32>,
        %get3A_701 = vector.shape_cast %get3A_700 : vector<1x16xf32> to vector<16xf32>
        %add3A_702 = arith.addf %get3A_701, %get3A_659 : vector<16xf32>
        %swap3A_703 = arith.index_cast %add3A_697 : i32 to index
        %swap3A_704 = arith.constant 16 : index
        %swap3A_705 = tpu.vector_load %arg8[%swap3A_703, %swap3A_704] {strides = array<i32>} : memref<1608x64xf32, #tpu.memory_space<vmem>>, vector<1x16xf32>,
        %swap3A_706 = vector.shape_cast %swap3A_705 : vector<1x16xf32> to vector<16xf32>
        %swap3A_707 = vector.shape_cast %add3A_702 : vector<16xf32> to vector<1x16xf32>
        tpu.vector_store %arg8[%swap3A_703, %swap3A_704], %swap3A_707 {strides = array<i32>} : memref<1608x64xf32, #tpu.memory_space<vmem>>, vector<1x16xf32>,
        %add3A_708 = arith.constant 805 : i32
        %add3A_709 = arith.addi %add3A_708, %scan3A_554 : i32
        %get3A_710 = arith.index_cast %add3A_709 : i32 to index
        %get3A_711 = arith.constant 16 : index
        %get3A_712 = tpu.vector_load %arg8[%get3A_710, %get3A_711] {strides = array<i32>} : memref<1608x64xf32, #tpu.memory_space<vmem>>, vector<1x16xf32>,
        %get3A_713 = vector.shape_cast %get3A_712 : vector<1x16xf32> to vector<16xf32>
        %add3A_714 = arith.addf %get3A_713, %get3A_659 : vector<16xf32>
        %swap3A_715 = arith.index_cast %add3A_709 : i32 to index
        %swap3A_716 = arith.constant 16 : index
        %swap3A_717 = tpu.vector_load %arg8[%swap3A_715, %swap3A_716] {strides = array<i32>} : memref<1608x64xf32, #tpu.memory_space<vmem>>, vector<1x16xf32>,
        %swap3A_718 = vector.shape_cast %swap3A_717 : vector<1x16xf32> to vector<16xf32>
        %swap3A_719 = vector.shape_cast %add3A_714 : vector<16xf32> to vector<1x16xf32>
        tpu.vector_store %arg8[%swap3A_715, %swap3A_716], %swap3A_719 {strides = array<i32>} : memref<1608x64xf32, #tpu.memory_space<vmem>>, vector<1x16xf32>,
        %add3A_720 = arith.constant 1006 : i32
        %add3A_721 = arith.addi %add3A_720, %scan3A_554 : i32
        %get3A_722 = arith.index_cast %add3A_721 : i32 to index
        %get3A_723 = arith.constant 16 : index
        %get3A_724 = tpu.vector_load %arg8[%get3A_722, %get3A_723] {strides = array<i32>} : memref<1608x64xf32, #tpu.memory_space<vmem>>, vector<1x16xf32>,
        %get3A_725 = vector.shape_cast %get3A_724 : vector<1x16xf32> to vector<16xf32>
        %add3A_726 = arith.addf %get3A_725, %get3A_659 : vector<16xf32>
        %swap3A_727 = arith.index_cast %add3A_721 : i32 to index
        %swap3A_728 = arith.constant 16 : index
        %swap3A_729 = tpu.vector_load %arg8[%swap3A_727, %swap3A_728] {strides = array<i32>} : memref<1608x64xf32, #tpu.memory_space<vmem>>, vector<1x16xf32>,
        %swap3A_730 = vector.shape_cast %swap3A_729 : vector<1x16xf32> to vector<16xf32>
        %swap3A_731 = vector.shape_cast %add3A_726 : vector<16xf32> to vector<1x16xf32>
        tpu.vector_store %arg8[%swap3A_727, %swap3A_728], %swap3A_731 {strides = array<i32>} : memref<1608x64xf32, #tpu.memory_space<vmem>>, vector<1x16xf32>,
        %add3A_732 = arith.constant 1207 : i32
        %add3A_733 = arith.addi %add3A_732, %scan3A_554 : i32
        %get3A_734 = arith.index_cast %add3A_733 : i32 to index
        %get3A_735 = arith.constant 16 : index
        %get3A_736 = tpu.vector_load %arg8[%get3A_734, %get3A_735] {strides = array<i32>} : memref<1608x64xf32, #tpu.memory_space<vmem>>, vector<1x16xf32>,
        %get3A_737 = vector.shape_cast %get3A_736 : vector<1x16xf32> to vector<16xf32>
        %add3A_738 = arith.addf %get3A_737, %get3A_659 : vector<16xf32>
        %swap3A_739 = arith.index_cast %add3A_733 : i32 to index
        %swap3A_740 = arith.constant 16 : index
        %swap3A_741 = tpu.vector_load %arg8[%swap3A_739, %swap3A_740] {strides = array<i32>} : memref<1608x64xf32, #tpu.memory_space<vmem>>, vector<1x16xf32>,
        %swap3A_742 = vector.shape_cast %swap3A_741 : vector<1x16xf32> to vector<16xf32>
        %swap3A_743 = vector.shape_cast %add3A_738 : vector<16xf32> to vector<1x16xf32>
        tpu.vector_store %arg8[%swap3A_739, %swap3A_740], %swap3A_743 {strides = array<i32>} : memref<1608x64xf32, #tpu.memory_space<vmem>>, vector<1x16xf32>,
        %add3A_744 = arith.constant 1408 : i32
        %add3A_745 = arith.addi %add3A_744, %scan3A_554 : i32
        %get3A_746 = arith.index_cast %add3A_745 : i32 to index
        %get3A_747 = arith.constant 16 : index
        %get3A_748 = tpu.vector_load %arg8[%get3A_746, %get3A_747] {strides = array<i32>} : memref<1608x64xf32, #tpu.memory_space<vmem>>, vector<1x16xf32>,
        %get3A_749 = vector.shape_cast %get3A_748 : vector<1x16xf32> to vector<16xf32>
        %add3A_750 = arith.addf %get3A_749, %get3A_659 : vector<16xf32>
        %swap3A_751 = arith.index_cast %add3A_745 : i32 to index
        %swap3A_752 = arith.constant 16 : index
        %swap3A_753 = tpu.vector_load %arg8[%swap3A_751, %swap3A_752] {strides = array<i32>} : memref<1608x64xf32, #tpu.memory_space<vmem>>, vector<1x16xf32>,
        %swap3A_754 = vector.shape_cast %swap3A_753 : vector<1x16xf32> to vector<16xf32>
        %swap3A_755 = vector.shape_cast %add3A_750 : vector<16xf32> to vector<1x16xf32>
        tpu.vector_store %arg8[%swap3A_751, %swap3A_752], %swap3A_755 {strides = array<i32>} : memref<1608x64xf32, #tpu.memory_space<vmem>>, vector<1x16xf32>,
        %get3A_756 = arith.index_cast %scan3A_554 : i32 to index
        %get3A_757 = arith.constant 32 : index
        %get3A_758 = tpu.vector_load %arg9[%get3A_756, %get3A_757] {strides = array<i32>} : memref<200x64xf32, #tpu.memory_space<vmem>>, vector<1x16xf32>,
        %get3A_759 = vector.shape_cast %get3A_758 : vector<1x16xf32> to vector<16xf32>
        %add3A_760 = arith.constant 1 : i32
        %add3A_761 = arith.addi %add3A_760, %scan3A_554 : i32
        %get3A_762 = arith.index_cast %add3A_761 : i32 to index
        %get3A_763 = arith.constant 32 : index
        %get3A_764 = tpu.vector_load %arg8[%get3A_762, %get3A_763] {strides = array<i32>} : memref<1608x64xf32, #tpu.memory_space<vmem>>, vector<1x16xf32>,
        %get3A_765 = vector.shape_cast %get3A_764 : vector<1x16xf32> to vector<16xf32>
        %add3A_766 = arith.addf %get3A_765, %get3A_759 : vector<16xf32>
        %swap3A_767 = arith.index_cast %add3A_761 : i32 to index
        %swap3A_768 = arith.constant 32 : index
        %swap3A_769 = tpu.vector_load %arg8[%swap3A_767, %swap3A_768] {strides = array<i32>} : memref<1608x64xf32, #tpu.memory_space<vmem>>, vector<1x16xf32>,
        %swap3A_770 = vector.shape_cast %swap3A_769 : vector<1x16xf32> to vector<16xf32>
        %swap3A_771 = vector.shape_cast %add3A_766 : vector<16xf32> to vector<1x16xf32>
        tpu.vector_store %arg8[%swap3A_767, %swap3A_768], %swap3A_771 {strides = array<i32>} : memref<1608x64xf32, #tpu.memory_space<vmem>>, vector<1x16xf32>,
        %add3A_772 = arith.constant 202 : i32
        %add3A_773 = arith.addi %add3A_772, %scan3A_554 : i32
        %get3A_774 = arith.index_cast %add3A_773 : i32 to index
        %get3A_775 = arith.constant 32 : index
        %get3A_776 = tpu.vector_load %arg8[%get3A_774, %get3A_775] {strides = array<i32>} : memref<1608x64xf32, #tpu.memory_space<vmem>>, vector<1x16xf32>,
        %get3A_777 = vector.shape_cast %get3A_776 : vector<1x16xf32> to vector<16xf32>
        %add3A_778 = arith.addf %get3A_777, %get3A_759 : vector<16xf32>
        %swap3A_779 = arith.index_cast %add3A_773 : i32 to index
        %swap3A_780 = arith.constant 32 : index
        %swap3A_781 = tpu.vector_load %arg8[%swap3A_779, %swap3A_780] {strides = array<i32>} : memref<1608x64xf32, #tpu.memory_space<vmem>>, vector<1x16xf32>,
        %swap3A_782 = vector.shape_cast %swap3A_781 : vector<1x16xf32> to vector<16xf32>
        %swap3A_783 = vector.shape_cast %add3A_778 : vector<16xf32> to vector<1x16xf32>
        tpu.vector_store %arg8[%swap3A_779, %swap3A_780], %swap3A_783 {strides = array<i32>} : memref<1608x64xf32, #tpu.memory_space<vmem>>, vector<1x16xf32>,
        %add3A_784 = arith.constant 403 : i32
        %add3A_785 = arith.addi %add3A_784, %scan3A_554 : i32
        %get3A_786 = arith.index_cast %add3A_785 : i32 to index
        %get3A_787 = arith.constant 32 : index
        %get3A_788 = tpu.vector_load %arg8[%get3A_786, %get3A_787] {strides = array<i32>} : memref<1608x64xf32, #tpu.memory_space<vmem>>, vector<1x16xf32>,
        %get3A_789 = vector.shape_cast %get3A_788 : vector<1x16xf32> to vector<16xf32>
        %add3A_790 = arith.addf %get3A_789, %get3A_759 : vector<16xf32>
        %swap3A_791 = arith.index_cast %add3A_785 : i32 to index
        %swap3A_792 = arith.constant 32 : index
        %swap3A_793 = tpu.vector_load %arg8[%swap3A_791, %swap3A_792] {strides = array<i32>} : memref<1608x64xf32, #tpu.memory_space<vmem>>, vector<1x16xf32>,
        %swap3A_794 = vector.shape_cast %swap3A_793 : vector<1x16xf32> to vector<16xf32>
        %swap3A_795 = vector.shape_cast %add3A_790 : vector<16xf32> to vector<1x16xf32>
        tpu.vector_store %arg8[%swap3A_791, %swap3A_792], %swap3A_795 {strides = array<i32>} : memref<1608x64xf32, #tpu.memory_space<vmem>>, vector<1x16xf32>,
        %add3A_796 = arith.constant 604 : i32
        %add3A_797 = arith.addi %add3A_796, %scan3A_554 : i32
        %get3A_798 = arith.index_cast %add3A_797 : i32 to index
        %get3A_799 = arith.constant 32 : index
        %get3A_800 = tpu.vector_load %arg8[%get3A_798, %get3A_799] {strides = array<i32>} : memref<1608x64xf32, #tpu.memory_space<vmem>>, vector<1x16xf32>,
        %get3A_801 = vector.shape_cast %get3A_800 : vector<1x16xf32> to vector<16xf32>
        %add3A_802 = arith.addf %get3A_801, %get3A_759 : vector<16xf32>
        %swap3A_803 = arith.index_cast %add3A_797 : i32 to index
        %swap3A_804 = arith.constant 32 : index
        %swap3A_805 = tpu.vector_load %arg8[%swap3A_803, %swap3A_804] {strides = array<i32>} : memref<1608x64xf32, #tpu.memory_space<vmem>>, vector<1x16xf32>,
        %swap3A_806 = vector.shape_cast %swap3A_805 : vector<1x16xf32> to vector<16xf32>
        %swap3A_807 = vector.shape_cast %add3A_802 : vector<16xf32> to vector<1x16xf32>
        tpu.vector_store %arg8[%swap3A_803, %swap3A_804], %swap3A_807 {strides = array<i32>} : memref<1608x64xf32, #tpu.memory_space<vmem>>, vector<1x16xf32>,
        %add3A_808 = arith.constant 805 : i32
        %add3A_809 = arith.addi %add3A_808, %scan3A_554 : i32
        %get3A_810 = arith.index_cast %add3A_809 : i32 to index
        %get3A_811 = arith.constant 32 : index
        %get3A_812 = tpu.vector_load %arg8[%get3A_810, %get3A_811] {strides = array<i32>} : memref<1608x64xf32, #tpu.memory_space<vmem>>, vector<1x16xf32>,
        %get3A_813 = vector.shape_cast %get3A_812 : vector<1x16xf32> to vector<16xf32>
        %add3A_814 = arith.addf %get3A_813, %get3A_759 : vector<16xf32>
        %swap3A_815 = arith.index_cast %add3A_809 : i32 to index
        %swap3A_816 = arith.constant 32 : index
        %swap3A_817 = tpu.vector_load %arg8[%swap3A_815, %swap3A_816] {strides = array<i32>} : memref<1608x64xf32, #tpu.memory_space<vmem>>, vector<1x16xf32>,
        %swap3A_818 = vector.shape_cast %swap3A_817 : vector<1x16xf32> to vector<16xf32>
        %swap3A_819 = vector.shape_cast %add3A_814 : vector<16xf32> to vector<1x16xf32>
        tpu.vector_store %arg8[%swap3A_815, %swap3A_816], %swap3A_819 {strides = array<i32>} : memref<1608x64xf32, #tpu.memory_space<vmem>>, vector<1x16xf32>,
        %add3A_820 = arith.constant 1006 : i32
        %add3A_821 = arith.addi %add3A_820, %scan3A_554 : i32
        %get3A_822 = arith.index_cast %add3A_821 : i32 to index
        %get3A_823 = arith.constant 32 : index
        %get3A_824 = tpu.vector_load %arg8[%get3A_822, %get3A_823] {strides = array<i32>} : memref<1608x64xf32, #tpu.memory_space<vmem>>, vector<1x16xf32>,
        %get3A_825 = vector.shape_cast %get3A_824 : vector<1x16xf32> to vector<16xf32>
        %add3A_826 = arith.addf %get3A_825, %get3A_759 : vector<16xf32>
        %swap3A_827 = arith.index_cast %add3A_821 : i32 to index
        %swap3A_828 = arith.constant 32 : index
        %swap3A_829 = tpu.vector_load %arg8[%swap3A_827, %swap3A_828] {strides = array<i32>} : memref<1608x64xf32, #tpu.memory_space<vmem>>, vector<1x16xf32>,
        %swap3A_830 = vector.shape_cast %swap3A_829 : vector<1x16xf32> to vector<16xf32>
        %swap3A_831 = vector.shape_cast %add3A_826 : vector<16xf32> to vector<1x16xf32>
        tpu.vector_store %arg8[%swap3A_827, %swap3A_828], %swap3A_831 {strides = array<i32>} : memref<1608x64xf32, #tpu.memory_space<vmem>>, vector<1x16xf32>,
        %add3A_832 = arith.constant 1207 : i32
        %add3A_833 = arith.addi %add3A_832, %scan3A_554 : i32
        %get3A_834 = arith.index_cast %add3A_833 : i32 to index
        %get3A_835 = arith.constant 32 : index
        %get3A_836 = tpu.vector_load %arg8[%get3A_834, %get3A_835] {strides = array<i32>} : memref<1608x64xf32, #tpu.memory_space<vmem>>, vector<1x16xf32>,
        %get3A_837 = vector.shape_cast %get3A_836 : vector<1x16xf32> to vector<16xf32>
        %add3A_838 = arith.addf %get3A_837, %get3A_759 : vector<16xf32>
        %swap3A_839 = arith.index_cast %add3A_833 : i32 to index
        %swap3A_840 = arith.constant 32 : index
        %swap3A_841 = tpu.vector_load %arg8[%swap3A_839, %swap3A_840] {strides = array<i32>} : memref<1608x64xf32, #tpu.memory_space<vmem>>, vector<1x16xf32>,
        %swap3A_842 = vector.shape_cast %swap3A_841 : vector<1x16xf32> to vector<16xf32>
        %swap3A_843 = vector.shape_cast %add3A_838 : vector<16xf32> to vector<1x16xf32>
        tpu.vector_store %arg8[%swap3A_839, %swap3A_840], %swap3A_843 {strides = array<i32>} : memref<1608x64xf32, #tpu.memory_space<vmem>>, vector<1x16xf32>,
        %add3A_844 = arith.constant 1408 : i32
        %add3A_845 = arith.addi %add3A_844, %scan3A_554 : i32
        %get3A_846 = arith.index_cast %add3A_845 : i32 to index
        %get3A_847 = arith.constant 32 : index
        %get3A_848 = tpu.vector_load %arg8[%get3A_846, %get3A_847] {strides = array<i32>} : memref<1608x64xf32, #tpu.memory_space<vmem>>, vector<1x16xf32>,
        %get3A_849 = vector.shape_cast %get3A_848 : vector<1x16xf32> to vector<16xf32>
        %add3A_850 = arith.addf %get3A_849, %get3A_759 : vector<16xf32>
        %swap3A_851 = arith.index_cast %add3A_845 : i32 to index
        %swap3A_852 = arith.constant 32 : index
        %swap3A_853 = tpu.vector_load %arg8[%swap3A_851, %swap3A_852] {strides = array<i32>} : memref<1608x64xf32, #tpu.memory_space<vmem>>, vector<1x16xf32>,
        %swap3A_854 = vector.shape_cast %swap3A_853 : vector<1x16xf32> to vector<16xf32>
        %swap3A_855 = vector.shape_cast %add3A_850 : vector<16xf32> to vector<1x16xf32>
        tpu.vector_store %arg8[%swap3A_851, %swap3A_852], %swap3A_855 {strides = array<i32>} : memref<1608x64xf32, #tpu.memory_space<vmem>>, vector<1x16xf32>,
        %get3A_856 = arith.index_cast %scan3A_554 : i32 to index
        %get3A_857 = arith.constant 48 : index
        %get3A_858 = tpu.vector_load %arg9[%get3A_856, %get3A_857] {strides = array<i32>} : memref<200x64xf32, #tpu.memory_space<vmem>>, vector<1x16xf32>,
        %get3A_859 = vector.shape_cast %get3A_858 : vector<1x16xf32> to vector<16xf32>
        %add3A_860 = arith.constant 1 : i32
        %add3A_861 = arith.addi %add3A_860, %scan3A_554 : i32
        %get3A_862 = arith.index_cast %add3A_861 : i32 to index
        %get3A_863 = arith.constant 48 : index
        %get3A_864 = tpu.vector_load %arg8[%get3A_862, %get3A_863] {strides = array<i32>} : memref<1608x64xf32, #tpu.memory_space<vmem>>, vector<1x16xf32>,
        %get3A_865 = vector.shape_cast %get3A_864 : vector<1x16xf32> to vector<16xf32>
        %add3A_866 = arith.addf %get3A_865, %get3A_859 : vector<16xf32>
        %swap3A_867 = arith.index_cast %add3A_861 : i32 to index
        %swap3A_868 = arith.constant 48 : index
        %swap3A_869 = tpu.vector_load %arg8[%swap3A_867, %swap3A_868] {strides = array<i32>} : memref<1608x64xf32, #tpu.memory_space<vmem>>, vector<1x16xf32>,
        %swap3A_870 = vector.shape_cast %swap3A_869 : vector<1x16xf32> to vector<16xf32>
        %swap3A_871 = vector.shape_cast %add3A_866 : vector<16xf32> to vector<1x16xf32>
        tpu.vector_store %arg8[%swap3A_867, %swap3A_868], %swap3A_871 {strides = array<i32>} : memref<1608x64xf32, #tpu.memory_space<vmem>>, vector<1x16xf32>,
        %add3A_872 = arith.constant 202 : i32
        %add3A_873 = arith.addi %add3A_872, %scan3A_554 : i32
        %get3A_874 = arith.index_cast %add3A_873 : i32 to index
        %get3A_875 = arith.constant 48 : index
        %get3A_876 = tpu.vector_load %arg8[%get3A_874, %get3A_875] {strides = array<i32>} : memref<1608x64xf32, #tpu.memory_space<vmem>>, vector<1x16xf32>,
        %get3A_877 = vector.shape_cast %get3A_876 : vector<1x16xf32> to vector<16xf32>
        %add3A_878 = arith.addf %get3A_877, %get3A_859 : vector<16xf32>
        %swap3A_879 = arith.index_cast %add3A_873 : i32 to index
        %swap3A_880 = arith.constant 48 : index
        %swap3A_881 = tpu.vector_load %arg8[%swap3A_879, %swap3A_880] {strides = array<i32>} : memref<1608x64xf32, #tpu.memory_space<vmem>>, vector<1x16xf32>,
        %swap3A_882 = vector.shape_cast %swap3A_881 : vector<1x16xf32> to vector<16xf32>
        %swap3A_883 = vector.shape_cast %add3A_878 : vector<16xf32> to vector<1x16xf32>
        tpu.vector_store %arg8[%swap3A_879, %swap3A_880], %swap3A_883 {strides = array<i32>} : memref<1608x64xf32, #tpu.memory_space<vmem>>, vector<1x16xf32>,
        %add3A_884 = arith.constant 403 : i32
        %add3A_885 = arith.addi %add3A_884, %scan3A_554 : i32
        %get3A_886 = arith.index_cast %add3A_885 : i32 to index
        %get3A_887 = arith.constant 48 : index
        %get3A_888 = tpu.vector_load %arg8[%get3A_886, %get3A_887] {strides = array<i32>} : memref<1608x64xf32, #tpu.memory_space<vmem>>, vector<1x16xf32>,
        %get3A_889 = vector.shape_cast %get3A_888 : vector<1x16xf32> to vector<16xf32>
        %add3A_890 = arith.addf %get3A_889, %get3A_859 : vector<16xf32>
        %swap3A_891 = arith.index_cast %add3A_885 : i32 to index
        %swap3A_892 = arith.constant 48 : index
        %swap3A_893 = tpu.vector_load %arg8[%swap3A_891, %swap3A_892] {strides = array<i32>} : memref<1608x64xf32, #tpu.memory_space<vmem>>, vector<1x16xf32>,
        %swap3A_894 = vector.shape_cast %swap3A_893 : vector<1x16xf32> to vector<16xf32>
        %swap3A_895 = vector.shape_cast %add3A_890 : vector<16xf32> to vector<1x16xf32>
        tpu.vector_store %arg8[%swap3A_891, %swap3A_892], %swap3A_895 {strides = array<i32>} : memref<1608x64xf32, #tpu.memory_space<vmem>>, vector<1x16xf32>,
        %add3A_896 = arith.constant 604 : i32
        %add3A_897 = arith.addi %add3A_896, %scan3A_554 : i32
        %get3A_898 = arith.index_cast %add3A_897 : i32 to index
        %get3A_899 = arith.constant 48 : index
        %get3A_900 = tpu.vector_load %arg8[%get3A_898, %get3A_899] {strides = array<i32>} : memref<1608x64xf32, #tpu.memory_space<vmem>>, vector<1x16xf32>,
        %get3A_901 = vector.shape_cast %get3A_900 : vector<1x16xf32> to vector<16xf32>
        %add3A_902 = arith.addf %get3A_901, %get3A_859 : vector<16xf32>
        %swap3A_903 = arith.index_cast %add3A_897 : i32 to index
        %swap3A_904 = arith.constant 48 : index
        %swap3A_905 = tpu.vector_load %arg8[%swap3A_903, %swap3A_904] {strides = array<i32>} : memref<1608x64xf32, #tpu.memory_space<vmem>>, vector<1x16xf32>,
        %swap3A_906 = vector.shape_cast %swap3A_905 : vector<1x16xf32> to vector<16xf32>
        %swap3A_907 = vector.shape_cast %add3A_902 : vector<16xf32> to vector<1x16xf32>
        tpu.vector_store %arg8[%swap3A_903, %swap3A_904], %swap3A_907 {strides = array<i32>} : memref<1608x64xf32, #tpu.memory_space<vmem>>, vector<1x16xf32>,
        %add3A_908 = arith.constant 805 : i32
        %add3A_909 = arith.addi %add3A_908, %scan3A_554 : i32
        %get3A_910 = arith.index_cast %add3A_909 : i32 to index
        %get3A_911 = arith.constant 48 : index
        %get3A_912 = tpu.vector_load %arg8[%get3A_910, %get3A_911] {strides = array<i32>} : memref<1608x64xf32, #tpu.memory_space<vmem>>, vector<1x16xf32>,
        %get3A_913 = vector.shape_cast %get3A_912 : vector<1x16xf32> to vector<16xf32>
        %add3A_914 = arith.addf %get3A_913, %get3A_859 : vector<16xf32>
        %swap3A_915 = arith.index_cast %add3A_909 : i32 to index
        %swap3A_916 = arith.constant 48 : index
        %swap3A_917 = tpu.vector_load %arg8[%swap3A_915, %swap3A_916] {strides = array<i32>} : memref<1608x64xf32, #tpu.memory_space<vmem>>, vector<1x16xf32>,
        %swap3A_918 = vector.shape_cast %swap3A_917 : vector<1x16xf32> to vector<16xf32>
        %swap3A_919 = vector.shape_cast %add3A_914 : vector<16xf32> to vector<1x16xf32>
        tpu.vector_store %arg8[%swap3A_915, %swap3A_916], %swap3A_919 {strides = array<i32>} : memref<1608x64xf32, #tpu.memory_space<vmem>>, vector<1x16xf32>,
        %add3A_920 = arith.constant 1006 : i32
        %add3A_921 = arith.addi %add3A_920, %scan3A_554 : i32
        %get3A_922 = arith.index_cast %add3A_921 : i32 to index
        %get3A_923 = arith.constant 48 : index
        %get3A_924 = tpu.vector_load %arg8[%get3A_922, %get3A_923] {strides = array<i32>} : memref<1608x64xf32, #tpu.memory_space<vmem>>, vector<1x16xf32>,
        %get3A_925 = vector.shape_cast %get3A_924 : vector<1x16xf32> to vector<16xf32>
        %add3A_926 = arith.addf %get3A_925, %get3A_859 : vector<16xf32>
        %swap3A_927 = arith.index_cast %add3A_921 : i32 to index
        %swap3A_928 = arith.constant 48 : index
        %swap3A_929 = tpu.vector_load %arg8[%swap3A_927, %swap3A_928] {strides = array<i32>} : memref<1608x64xf32, #tpu.memory_space<vmem>>, vector<1x16xf32>,
        %swap3A_930 = vector.shape_cast %swap3A_929 : vector<1x16xf32> to vector<16xf32>
        %swap3A_931 = vector.shape_cast %add3A_926 : vector<16xf32> to vector<1x16xf32>
        tpu.vector_store %arg8[%swap3A_927, %swap3A_928], %swap3A_931 {strides = array<i32>} : memref<1608x64xf32, #tpu.memory_space<vmem>>, vector<1x16xf32>,
        %add3A_932 = arith.constant 1207 : i32
        %add3A_933 = arith.addi %add3A_932, %scan3A_554 : i32
        %get3A_934 = arith.index_cast %add3A_933 : i32 to index
        %get3A_935 = arith.constant 48 : index
        %get3A_936 = tpu.vector_load %arg8[%get3A_934, %get3A_935] {strides = array<i32>} : memref<1608x64xf32, #tpu.memory_space<vmem>>, vector<1x16xf32>,
        %get3A_937 = vector.shape_cast %get3A_936 : vector<1x16xf32> to vector<16xf32>
        %add3A_938 = arith.addf %get3A_937, %get3A_859 : vector<16xf32>
        %swap3A_939 = arith.index_cast %add3A_933 : i32 to index
        %swap3A_940 = arith.constant 48 : index
        %swap3A_941 = tpu.vector_load %arg8[%swap3A_939, %swap3A_940] {strides = array<i32>} : memref<1608x64xf32, #tpu.memory_space<vmem>>, vector<1x16xf32>,
        %swap3A_942 = vector.shape_cast %swap3A_941 : vector<1x16xf32> to vector<16xf32>
        %swap3A_943 = vector.shape_cast %add3A_938 : vector<16xf32> to vector<1x16xf32>
        tpu.vector_store %arg8[%swap3A_939, %swap3A_940], %swap3A_943 {strides = array<i32>} : memref<1608x64xf32, #tpu.memory_space<vmem>>, vector<1x16xf32>,
        %add3A_944 = arith.constant 1408 : i32
        %add3A_945 = arith.addi %add3A_944, %scan3A_554 : i32
        %get3A_946 = arith.index_cast %add3A_945 : i32 to index
        %get3A_947 = arith.constant 48 : index
        %get3A_948 = tpu.vector_load %arg8[%get3A_946, %get3A_947] {strides = array<i32>} : memref<1608x64xf32, #tpu.memory_space<vmem>>, vector<1x16xf32>,
        %get3A_949 = vector.shape_cast %get3A_948 : vector<1x16xf32> to vector<16xf32>
        %add3A_950 = arith.addf %get3A_949, %get3A_859 : vector<16xf32>
        %swap3A_951 = arith.index_cast %add3A_945 : i32 to index
        %swap3A_952 = arith.constant 48 : index
        %swap3A_953 = tpu.vector_load %arg8[%swap3A_951, %swap3A_952] {strides = array<i32>} : memref<1608x64xf32, #tpu.memory_space<vmem>>, vector<1x16xf32>,
        %swap3A_954 = vector.shape_cast %swap3A_953 : vector<1x16xf32> to vector<16xf32>
        %swap3A_955 = vector.shape_cast %add3A_950 : vector<16xf32> to vector<1x16xf32>
        tpu.vector_store %arg8[%swap3A_951, %swap3A_952], %swap3A_955 {strides = array<i32>} : memref<1608x64xf32, #tpu.memory_space<vmem>>, vector<1x16xf32>,
        %scan3A_956 = arith.constant 0 : i32
        scf.yield %scan3A_956 : i32
      }
      %scan3A_550 = arith.constant 200 : i32
      %mul3A_551 = arith.constant 201 : i32
      %mul3A_552 = arith.muli %add3A_223, %mul3A_551 : i32
      "tpu.region"() ({
        %run_scoped3A = tpu.sem_alloc : memref<!tpu.dma_semaphore, #tpu.memory_space<semaphore_mem>>
        %dma_start3A_554 = arith.constant 0 : i32
        %dma_start3A_555 = tpu.memref_slice %arg6[%mul3A_552, %dma_start3A_554] : memref<823296x64xf32, #tpu.memory_space<hbm>> -> memref<1608x64xf32, #tpu.memory_space<hbm>>
        %dma_start3A_556 = arith.constant 0 : i32
        %dma_start3A_557 = tpu.memref_slice %arg6[%mul3A_552, %dma_start3A_556] : memref<823296x64xf32, #tpu.memory_space<hbm>> -> memref<1608x64xf32, #tpu.memory_space<hbm>>
        tpu.enqueue_dma source(%arg8 : memref<1608x64xf32, #tpu.memory_space<vmem>>) target(%dma_start3A_557 : memref<1608x64xf32, #tpu.memory_space<hbm>>) target_semaphore(%run_scoped3A : memref<!tpu.dma_semaphore, #tpu.memory_space<semaphore_mem>>)
        %dma_wait3A_558 = arith.constant 0 : i32
        %dma_wait3A_559 = tpu.memref_slice %arg6[%mul3A_552, %dma_wait3A_558] : memref<823296x64xf32, #tpu.memory_space<hbm>> -> memref<1608x64xf32, #tpu.memory_space<hbm>>
        %dma_wait3A_560 = arith.constant 0 : i32
        %dma_wait3A_561 = tpu.memref_slice %arg6[%mul3A_552, %dma_wait3A_560] : memref<823296x64xf32, #tpu.memory_space<hbm>> -> memref<1608x64xf32, #tpu.memory_space<hbm>>
        tpu.wait_dma2 semaphore(%run_scoped3A : memref<!tpu.dma_semaphore, #tpu.memory_space<semaphore_mem>>) src(%arg8 : memref<1608x64xf32, #tpu.memory_space<vmem>>) dst(%dma_wait3A_561 : memref<1608x64xf32, #tpu.memory_space<hbm>>)
        tpu.yield
      }) : () -> ()
      %scan3A_553 = arith.constant 0 : i32
      scf.yield %scan3A_553 : i32
    }
    %scan3A_216 = arith.constant 16 : i32
    return
  }
}

</mosaic_0001>

<sc_bundles>
// kernel: _embed.3.cloned.1.call-start
scs
__scs_entry_jumppad:
0x0: {  	(pc) =	sbr.rel $0x88, $3  }
0x1: {  	(tag) =	ssettag $0x0;
	lr =	simm.s32 $0x1  }
0x2: {  	[smem:$0x3F9D] =	sst lr;
	_ =	strace $0xD0000000  }
0x3: {  	_ = 	snop  }
0x4: {  	_ = 	snop  }
0x5: {  	_ = 	snop  }
0x6: {  	_ = 	snop  }
0x7: {  	_ = 	snop  }
__scs_overlays_trampoline_lowered:
0x8: {  	[smem:$0x3FAC] =	sst s0  }
0x9: {  	[smem:$0x3FAD] =	sst s1  }
0xa: {  	[smem:$0x3FAE] =	sst s2  }
0xb: {  	[smem:$0x3FAF] =	sst s3  }
0xc: {  	[smem:$0x3FB0] =	sst s4  }
0xd: {  	[smem:$0x3FB1] =	sst s5  }
0xe: {  	[smem:$0x3FB2] =	sst s6  }
0xf: {  	[smem:$0x3FB3] =	sst s7  }
0x10: {  	[smem:$0x3FB4] =	sst s8  }
0x11: {  	[smem:$0x3FB5] =	sst s9;
	s0 =	simm.s32 @!p0 $0x0  }
0x12: {  	s1 =	sld [smem:$0x3F9B];
	s0 =	simm.s32 @p0 $0x1  }
0x13: {  	[smem:$0x3FB6] =	sst s0;
	s0 =	simm.s32 @!p1 $0x0  }
0x14: {  	s2 =	sld [smem:$0x3F9A];
	s0 =	simm.s32 @p1 $0x1  }
0x15: {  	[smem:$0x3FB7] =	sst s0;
	s0 =	simm.s32 @!p2 $0x0  }
0x16: {  	s3 =	sld [smem:$0x3FDB];
	s0 =	simm.s32 @p2 $0x1  }
0x17: {  	s4 =	simm.s32 $0x1BF5;
	[smem:$0x3FB9] =	sst s0  }
0x18: {  	s0 =	sld [smem:$0x3F9C];
	_ =	swait.ge [sflag:s4], $0x0  }
0x19: {  	s7 =	sld [smem:$0x3F9D]  }
0x1a: {  	s8 =	sadd.s32 $0xFFFFE003, lr  }
0x1b: {  	s9 =	sadd.s32 $0xFFFFFEF7, lr;
	s5 =	simm.s32 $0xFFFFFFFF;
	p2 =	slt.u32 s8, $0xFFFFF086  }
0x1c: {  	p1 =	slt.u32 s9, $0xF7A;
	s5 =	simm.s32 @!p2 $0x0  }
0x1d: {  	s5 =	simm.s32 @p1 $0x1;
	p0 =	seq.s32 s7, s2  }
0x1e: {  	s7 =	smul.u32 @!p0 $0xF7A, s2;
	p2 =	seq.s32 @!p0 s5, $0x0  }
0x1f: {  	s9 =	smul.u32 $0xF7A, s1;
	s8 =	simm.s32 @!p0 $0x1BF5;
	p2 =	por !p2, p0  }
0x20: {  	[sflag:s8] =	ssyncset.s32 @!p0 $0xFFFFF086;
	s6 =	sadd.s32 @!p0 s3, s7;
	s7 =	simm.s32 @!p0 $0x108  }
0x21: {  	s3 =	sadd.s32 s3, s9;
	s6 =	sadd.s32 @!p0 $0x88, s6;
	s7 =	simm.s32 @p2 $0x1082  }
0x22: {  	[simem:s7], [sflag:s8] =	dma.local @!p0 [hbm:s6], $0xF7A  }
0x23: {  	s9 =	sor.u32 $0xD0000000, s2;
	s6 =	simm.s32 $0x108;
	_ =	swait.ge @!p0 [sflag:s8], $0x0  }
0x24: {  	s3 =	sadd.s32 $0x88, s3;
	s6 =	simm.s32 @!p1 $0x1082;
	[sflag:s4] =	ssyncset.s32 $0xFFFFF086  }
0x25: {  	[simem:s6], [sflag:s4] =	dma.local [hbm:s3], $0xF7A  }
0x26: {  	[smem:$0x3F9D] =	sst s1;
	(tag) =	ssettag s2;
	_ =	strace s9  }
0x27: {  	s1 =	sld [smem:$0x3FAD]  }
0x28: {  	s2 =	sld [smem:$0x3FAE]  }
0x29: {  	s4 =	sld [smem:$0x3FB0]  }
0x2a: {  	p0 =	seq.s32 s5, $0x0;
	s5 =	sld [smem:$0x3FB1]  }
0x2b: {  	s6 =	sld [smem:$0x3FB2]  }
0x2c: {  	s7 =	sld [smem:$0x3FB3]  }
0x2d: {  	s3 =	simm.s32 $0x108;
	s8 =	sld [smem:$0x3FB4]  }
0x2e: {  	s3 =	simm.s32 @!p0 $0x1082;
	s9 =	sld [smem:$0x3FB5]  }
0x2f: {  	lr =	sadd.s32 s0, s3;
	s0 =	sld [smem:$0x3FAC]  }
0x30: {  	s3 =	sld [smem:$0x3FAF]  }
0x31: {  	[smem:$0x3FB8] =	sst s10  }
0x32: {  	s10 =	sld [smem:$0x3FB6];
	_ =	sdelay $0x3  }
0x33: {  	p0 =	seq.s32 s10, $0x1;
	s10 =	sld [smem:$0x3FB8];
	_ =	sdelay $0x3  }
0x34: {  	[smem:$0x3FB8] =	sst s10  }
0x35: {  	s10 =	sld [smem:$0x3FB7];
	_ =	sdelay $0x3  }
0x36: {  	p1 =	seq.s32 s10, $0x1;
	s10 =	sld [smem:$0x3FB8];
	_ =	sdelay $0x3  }
0x37: {  	[smem:$0x3FB8] =	sst s10  }
0x38: {  	s10 =	sld [smem:$0x3FB9]  }
0x39: {  	_ = 	snop;
	(pc) =	sbr.ind lr, $3  }
0x3a: {  	_ = 	snop  }
0x3b: {  	_ = 	snop  }
0x3c: {  	p2 =	seq.s32 s10, $0x1;
	s10 =	sld [smem:$0x3FB8]  }
0x3d: {  	_ =	shalt  }
0x3e: {  	_ =	shalt  }
0x3f: {  	_ =	shalt  }
0x40: {  	_ =	shalt  }
0x41: {  	_ =	shalt  }
0x42: {  	_ =	shalt  }
0x43: {  	_ =	shalt  }
0x44: {  	_ =	shalt  }
0x45: {  	_ =	shalt  }
0x46: {  	_ =	shalt  }
0x47: {  	_ =	shalt  }
0x48: {  	_ =	shalt  }
0x49: {  	_ =	shalt  }
0x4a: {  	_ =	shalt  }
0x4b: {  	_ =	shalt  }
0x4c: {  	_ =	shalt  }
0x4d: {  	_ =	shalt  }
0x4e: {  	_ =	shalt  }
0x4f: {  	_ =	shalt  }
0x50: {  	_ =	shalt  }
0x51: {  	_ =	shalt  }
0x52: {  	_ =	shalt  }
0x53: {  	_ =	shalt  }
0x54: {  	_ =	shalt  }
0x55: {  	_ =	shalt  }
0x56: {  	_ =	shalt  }
0x57: {  	_ =	shalt  }
0x58: {  	_ =	shalt  }
0x59: {  	_ =	shalt  }
0x5a: {  	_ =	shalt  }
0x5b: {  	_ =	shalt  }
0x5c: {  	_ =	shalt  }
0x5d: {  	_ =	shalt  }
0x5e: {  	_ =	shalt  }
0x5f: {  	_ =	shalt  }
0x60: {  	_ =	shalt  }
0x61: {  	_ =	shalt  }
0x62: {  	_ =	shalt  }
0x63: {  	_ =	shalt  }
0x64: {  	_ =	shalt  }
0x65: {  	_ =	shalt  }
0x66: {  	_ =	shalt  }
0x67: {  	_ =	shalt  }
0x68: {  	_ =	shalt  }
0x69: {  	_ =	shalt  }
0x6a: {  	_ =	shalt  }
0x6b: {  	_ =	shalt  }
0x6c: {  	_ =	shalt  }
0x6d: {  	_ =	shalt  }
0x6e: {  	_ =	shalt  }
0x6f: {  	_ =	shalt  }
0x70: {  	_ =	shalt  }
0x71: {  	_ =	shalt  }
0x72: {  	_ =	shalt  }
0x73: {  	_ =	shalt  }
0x74: {  	_ =	shalt  }
0x75: {  	_ =	shalt  }
0x76: {  	_ =	shalt  }
0x77: {  	_ =	shalt  }
0x78: {  	_ =	shalt  }
0x79: {  	_ =	shalt  }
0x7a: {  	_ =	shalt  }
0x7b: {  	_ =	shalt  }
0x7c: {  	_ =	shalt  }
0x7d: {  	_ =	shalt  }
0x7e: {  	_ =	shalt  }
0x7f: {  	_ =	shalt  }
0x80: {  	_ =	shalt  }
0x81: {  	_ =	shalt  }
0x82: {  	_ =	shalt  }
0x83: {  	_ =	shalt  }
0x84: {  	_ =	shalt  }
0x85: {  	_ =	shalt  }
0x86: {  	_ =	shalt  }
0x87: {  	_ =	shalt  }
.Lfunc_end0:
.L_simem_size_0:
called_computation.1_lowered:
.L_overlay_start_0:
0x88: {  	s2 =	sld [smem:$0x3FD9]  }
0x89: {  	s3 =	sld [smem:$0x3FFE];
	_ =	sdelay $0x1  }
0x8a: {  	s1 =	srdreg.scid  }
0x8b: {  	s0 =	sand.u32 $0x1, s1  }
0x8c: {  	s17 =	sshll.u32 s0, $0xA;
	s2 =	sadd.s32 s3, s2  }
0x8d: {  	s2 =	sadd.s32 s2, s17  }
0x8e: {  	[smem:$0x3FC4] =	sst s2  }
0x8f: {  	_ = 	snop  }
0x90: {  	s2 =	sld [smem:$0x3FC7]  }
0x91: {  	s18 =	sld [smem:$0x3FD0];
	(tm) =	ssettm $0x1  }
0x92: {  	s4 =	sld [smem:$0x3FFB];
	_ =	sdelay $0x3  }
0x93: {  	_ =	strace s4  }
0x94: {  	s4 =	sld [smem:$0x3FFC];
	_ =	sdelay $0x3  }
0x95: {  	_ =	strace s4  }
0x96: {  	s4 =	sld [smem:$0x3FFD];
	_ =	sdelay $0x3  }
0x97: {  	_ =	strace s4  }
0x98: {  	_ =	strace $0x8FFFFFFF  }
0x99: {  	s19 =	sld [smem:$0x3FDB];
	_ =	sdelay $0x1  }
0x9a: {  	s5 =	simm.s32 $_scs_section_size  }
0x9b: {  	s6 =	simm.s32 $_size__tile_overlayer_lowered;
	s7 =	simm.s32 $_tile_overlayer_lowered  }
0x9c: {  	s22 =	simm.s32 $0x1BFF;
	s21 =	sshll.u32 s7, $0x1;
	s4 =	sadd.s32 s5, s19  }
0x9d: {  	s8 =	simm.s32 $0x0;
	s20 =	sshll.u32 s6, $0x1;
	s6 =	sadd.s32 s21, s4  }
0x9e: {  	[timem:s8], [sflag:s22] =	dma.local [hbm:s6], s20  }
0x9f: {  	_ =	swait.ge [sflag:s22], s20  }
0xa0: {  	s5 =	ssub.s32 $0x0, s20;
	[sflag:s22] =	ssyncset.done $0x0  }
0xa1: {  	[sflag:s22] =	ssyncadd.s32 s5;
	_ =	sdelay $0x1  }
0xa2: {  	s23 =	simm.s32 $0x1B8B  }
0xa3: {  	_ =	swait.ge [sflag:s23], $0x1  }
0xa4: {  	[sflag:s23] =	ssyncset.done $0x0  }
0xa5: {  	s25 =	simm.s32 $0x1B8E;
	s24 =	sld [smem:$0x3FFE];
	[sflag:s23] =	ssyncadd.s32 $0xFFFFFFFF  }
0xa6: {  	s26 =	simm.s32 $execute0_lowered;
	[smem:$0x3FD2] =	sst s25  }
0xa7: {  	s6 =	sshll.u32 s26, $0x1;
	_ =	strace $0x80000046;
	[dreg:$0x1] =	wrdreg $0xFFFFFFFF  }
0xa8: {  	s28 =	simm.s32 $_size_execute0_lowered;
	s4 =	sadd.s32 s4, s6;
	[dreg:$0x0] =	wrdreg $0x0  }
0xa9: {  	s6 =	sshll.u32 s28, $0x1;
	[dreg:$0x2] =	wrdreg s4  }
0xaa: {  	[dreg:$0x3] =	wrdreg s6  }
0xab: {  	[dreg:$0x4] =	wrdreg $0xC0  }
0xac: {  	_ =	task [dreg:s8], $0x5FFFF  }
0xad: {  	[dreg:$0x1] =	wrdreg $0xFFFFFFFF  }
0xae: {  	[dreg:$0x0] =	wrdreg $0x60  }
0xaf: {  	[dreg:$0x2] =	wrdreg s24  }
0xb0: {  	[dreg:$0x3] =	wrdreg s2  }
0xb1: {  	[dreg:$0x4] =	wrdreg s18  }
0xb2: {  	[dreg:$0x5] =	wrdreg $0x9  }
0xb3: {  	_ =	task.clear_ibuf [dreg:s8], $0x6FFFF;
	_ =	strace $0x90000046  }
0xb4: {  	s29 =	simm.s32 $0x9;
	_ =	strace $0x80000048  }
0xb5: {  	_ =	swait.ge [sflag:s29], $0x1  }
0xb6: {  	[sflag:s29] =	ssyncadd.s32 $0xFFFFFFFF  }
0xb7: {  	_ =	strace $0x90000048  }
0xb8: {  	_ =	sfence  }
0xb9: {  	s30 =	sld [smem:$0x0];
	_ =	sdelay $0x2  }
0xba: {  	s31 =	sshll.u32 s1, $0xD;
	s1 =	sshrl.u32 s1, $0x2  }
0xbb: {  	s3 =	sand.u32 $0x4000, s31;
	s1 =	sadd.s32 s1, s30  }
0xbc: {  	s0 =	sor.u32 s3, s0;
	s1 =	sshll.u32 s1, $0x11  }
0xbd: {  	s0 =	sor.u32 s1, s0  }
0xbe: {  	s0 =	sadd.s32 $0x8F2B, s0  }
0xbf: {  	[sflag:s0] =	ssyncadd.remote.s32 $0x1  }
0xc0: {  	_ =	sfence.sel $0xFFFF  }
0xc1: {  	[dreg:$0x0] =	wrdreg $0xFFFFFFFF;
	(pc) =	sbr.abs _section_cstart, $3  }
0xc2: {  	[dreg:$0x1] =	wrdreg $0xFFFFFFFF  }
0xc3: {  	_ =	task.clear_ibuf [dreg:s8], $0x2FFFF;
	_ =	strace $0x9FFFFFFF  }
0xc4: {  	(tm) =	ssettm $0x7FFFFFFF  }
0xc5: {  	_ =	shalt  }
tec
execute0_lowered:
.L_overlay_start_1:
0x0: {  	(tag) =	ssettag $0x1  }
0x1: {  	s0 =	rddreg [dreg:$0x0]  }
0x2: {  	s1 =	simm.s32 $0x0;
	s25 =	srdreg.scid;
	s4 =	stileid.u32  }
0x3: {  	s11 =	simm.s32 $0x2;
	s13 =	simm.s32 $0x64;
	s28 =	simm.s32 $0x2D8  }
0x4: {  	s29 =	simm.s32 $0xB680;
	s30 =	simm.s32 $0x340;
	s31 =	simm.s32 $0xCFC0  }
0x5: {  	s10 =	simm.s32 $0x10200;
	s12 =	simm.s32 $0x478;
	s7 =	simm.s32 $0x11B00  }
0x6: {  	s9 =	simm.s32 $0x4E0;
	s14 =	simm.s32 $0x548;
	s15 =	simm.s32 $0x14D40  }
0x7: {  	s16 =	simm.s32 $0x5B0;
	s17 =	simm.s32 $0x16680;
	s18 =	simm.s32 $0x618  }
0x8: {  	s19 =	simm.s32 $0x17F80;
	s20 =	simm.s32 $0x1;
	s21 =	simm.s32 $0x680  }
0x9: {  	s22 =	simm.s32 $0x0;
	[smem:$0x7FF] =	sst s1;
	s5 =	sadd.s32 $0x1000, s0  }
0xa: {  	s1 =	sand.u32 $0x1, s25;
	s6 =	sadd.s32 $0x1B000, s0;
	s4 =	sshll.u32 s4, $0x8  }
0xb: {  	s0 =	sadd.s32 $0x800, s0;
	_ =	strace $0x80000047;
	s2 =	ssub.s32 $0x2, s1  }
0xc: {  	s1 =	sshll.u32 s1, $0x7;
	[dreg:$0x4] =	wrdreg s0;
	s3 =	sshrl.u32 s2, $0x1  }
0xd: {  	s8 =	sor.u32 s1, s4;
	s4 =	simm.s32 $0xE8C0;
	s26 =	ssub.s32 s2, s3  }
0xe: {  	s1 =	simm.s32 $0x410;
	s2 =	simm.s32 $0x13440;
	s0 =	smax.u32 s26, $0x1  }
0xf: {  	s26 =	simm.s32 $0x0;
	[dreg:$0x5] =	wrdreg s0;
	s0 =	simm.s32 $0x3A8  }
.LBB2_1:
0x10: {  	[dreg:$0x6] =	wrdreg s22  }
0x11: {  	s22 =	simm.s32 $0x0;
	s3 =	rddreg [dreg:$0x4];
	s23 =	simm.s32 $0x19880  }
0x12: {  	[tilespmem:s23], [sflag:$0x2] =	stream.linear.gather [hbm4b:s3+s22], $0x3200, $0x38;
	[tilespmem:$0x1CAC0] =	vst v63  }
0x13: {  	_ =	swait.ge [sflag:s11], $0x3200  }
0x14: {  	[sflag:s11] =	ssyncset.done $0x0  }
0x15: {  	[sflag:s11] =	ssyncadd.s32 $0xFFFFCE00  }
0x16: {  	s25 =	simm.s32 $0x1CA80;
	s24 =	rddreg [dreg:$0x1]  }
0x17: {  	[tilespmem:s25], [sflag:$0x2] =	stream.linear.gather [hbm4b:s24+s22], $0x40, $0x38;
	[tilespmem:$0x1CAC0] =	vst v63  }
0x18: {  	_ =	swait.ge [sflag:s11], $0x40  }
0x19: {  	[sflag:s11] =	ssyncset.done $0x0  }
0x1a: {  	[sflag:s11] =	ssyncadd.s32 $0xFFFFFFC0  }
0x1b: {  	v0 =	vld [tilespmem:$0x1CA80];
	_ =	sdelay $0x4  }
0x1c: {  	[tilespmem:$0x680] =	vst v0  }
0x1d: {  	[tilespmem:$0x38C0] =	vst v0  }
0x1e: {  	[tilespmem:$0x6B00] =	vst v0  }
0x1f: {  	v1 =	vld [tilespmem:$0x1CA90];
	[tilespmem:$0x9D40] =	vst v0  }
0x20: {  	[tilespmem:$0xCF80] =	vst v0  }
0x21: {  	[tilespmem:$0x101C0] =	vst v0  }
0x22: {  	[tilespmem:$0x13400] =	vst v0  }
0x23: {  	[tilespmem:$0x16640] =	vst v0  }
0x24: {  	[tilespmem:$0x690] =	vst v1  }
0x25: {  	[tilespmem:$0x38D0] =	vst v1  }
0x26: {  	[tilespmem:$0x6B10] =	vst v1  }
0x27: {  	v62 =	vld [tilespmem:$0x1CAA0];
	[tilespmem:$0x9D50] =	vst v1  }
0x28: {  	[tilespmem:$0xCF90] =	vst v1  }
0x29: {  	[tilespmem:$0x101D0] =	vst v1  }
0x2a: {  	[tilespmem:$0x13410] =	vst v1  }
0x2b: {  	[tilespmem:$0x16650] =	vst v1  }
0x2c: {  	[tilespmem:$0x6A0] =	vst v62  }
0x2d: {  	[tilespmem:$0x38E0] =	vst v62  }
0x2e: {  	[tilespmem:$0x6B20] =	vst v62  }
0x2f: {  	v63 =	vld [tilespmem:$0x1CAB0];
	[tilespmem:$0x9D60] =	vst v62  }
0x30: {  	[tilespmem:$0xCFA0] =	vst v62  }
0x31: {  	[tilespmem:$0x101E0] =	vst v62  }
0x32: {  	[tilespmem:$0x13420] =	vst v62  }
0x33: {  	[tilespmem:$0x16660] =	vst v62  }
0x34: {  	[tilespmem:$0x6B0] =	vst v63  }
0x35: {  	[tilespmem:$0x38F0] =	vst v63  }
0x36: {  	[tilespmem:$0x6B30] =	vst v63  }
0x37: {  	[tilespmem:$0x9D70] =	vst v63  }
0x38: {  	[tilespmem:$0xCFB0] =	vst v63  }
0x39: {  	[tilespmem:$0x101F0] =	vst v63  }
0x3a: {  	[tilespmem:$0x13430] =	vst v63  }
0x3b: {  	s3 =	simm.s32 $0x0;
	[tilespmem:$0x16670] =	vst v63  }
.LBB2_2:
0x3c: {  	s22 =	sshll.u32 s3, $0x3  }
0x3d: {  	s22 =	sadd.s32 s8, s22  }
0x3e: {  	s23 =	smul.u32 $0x1A, s22;
	_ =	sdelay $0x1  }
0x3f: {  	s24 =	simm.s32 $0x0;
	s23 =	sadd.s32 s5, s23  }
0x40: {  	[tilespmem:s24], [sflag:$0x2] =	stream.linear.gather [hbm4b:s23+s24], $0x680, $0x38;
	[tilespmem:$0x1CAC0] =	vst v63  }
0x41: {  	_ =	swait.ge [sflag:s11], $0x680  }
0x42: {  	[sflag:s11] =	ssyncset.done $0x0  }
0x43: {  	s25 =	simm.s32 $0x6C0;
	[sflag:s11] =	ssyncadd.s32 $0xFFFFF980  }
0x44: {  	[tilespmem:s25], [sflag:$0x1] =	stream.indirect.gather [hbm4b:s6+s13], $0x40, s24, s13, $0xb8;
	[tilespmem:$0x1CAC0] =	vst v63  }
0x45: {  	s24 =	simm.s32 $0x68;
	s25 =	simm.s32 $0x1FC0  }
0x46: {  	[tilespmem:s25], [sflag:$0x1] =	stream.indirect.gather [hbm4b:s6+s13], $0x40, s24, s13, $0xb8;
	[tilespmem:$0x1CAC0] =	vst v63  }
0x47: {  	s24 =	simm.s32 $0xD0;
	s25 =	simm.s32 $0x3900  }
0x48: {  	[tilespmem:s25], [sflag:$0x1] =	stream.indirect.gather [hbm4b:s6+s13], $0x40, s24, s13, $0xb8;
	[tilespmem:$0x1CAC0] =	vst v63  }
0x49: {  	s24 =	simm.s32 $0x138;
	s25 =	simm.s32 $0x5200  }
0x4a: {  	[tilespmem:s25], [sflag:$0x1] =	stream.indirect.gather [hbm4b:s6+s13], $0x40, s24, s13, $0xb8;
	[tilespmem:$0x1CAC0] =	vst v63  }
0x4b: {  	s24 =	simm.s32 $0x1A0;
	s25 =	simm.s32 $0x6B40  }
0x4c: {  	[tilespmem:s25], [sflag:$0x1] =	stream.indirect.gather [hbm4b:s6+s13], $0x40, s24, s13, $0xb8;
	[tilespmem:$0x1CAC0] =	vst v63  }
0x4d: {  	s24 =	simm.s32 $0x208;
	s25 =	simm.s32 $0x8440  }
0x4e: {  	[tilespmem:s25], [sflag:$0x1] =	stream.indirect.gather [hbm4b:s6+s13], $0x40, s24, s13, $0xb8;
	[tilespmem:$0x1CAC0] =	vst v63  }
0x4f: {  	s24 =	simm.s32 $0x270;
	s25 =	simm.s32 $0x9D80  }
0x50: {  	[tilespmem:s25], [sflag:$0x1] =	stream.indirect.gather [hbm4b:s6+s13], $0x40, s24, s13, $0xb8;
	[tilespmem:$0x1CAC0] =	vst v63  }
0x51: {  	_ = 	snop  }
0x52: {  	[tilespmem:s29], [sflag:$0x1] =	stream.indirect.gather [hbm4b:s6+s13], $0x40, s28, s13, $0xb8;
	[tilespmem:$0x1CAC0] =	vst v63  }
0x53: {  	_ = 	snop  }
0x54: {  	[tilespmem:s31], [sflag:$0x1] =	stream.indirect.gather [hbm4b:s6+s13], $0x40, s30, s13, $0xb8;
	[tilespmem:$0x1CAC0] =	vst v63  }
0x55: {  	_ = 	snop  }
0x56: {  	[tilespmem:s4], [sflag:$0x1] =	stream.indirect.gather [hbm4b:s6+s13], $0x40, s0, s13, $0xb8;
	[tilespmem:$0x1CAC0] =	vst v63  }
0x57: {  	_ = 	snop  }
0x58: {  	[tilespmem:s10], [sflag:$0x1] =	stream.indirect.gather [hbm4b:s6+s13], $0x40, s1, s13, $0xb8;
	[tilespmem:$0x1CAC0] =	vst v63  }
0x59: {  	_ = 	snop  }
0x5a: {  	[tilespmem:s7], [sflag:$0x1] =	stream.indirect.gather [hbm4b:s6+s13], $0x40, s12, s13, $0xb8;
	[tilespmem:$0x1CAC0] =	vst v63  }
0x5b: {  	_ = 	snop  }
0x5c: {  	[tilespmem:s2], [sflag:$0x1] =	stream.indirect.gather [hbm4b:s6+s13], $0x40, s9, s13, $0xb8;
	[tilespmem:$0x1CAC0] =	vst v63  }
0x5d: {  	_ = 	snop  }
0x5e: {  	[tilespmem:s15], [sflag:$0x1] =	stream.indirect.gather [hbm4b:s6+s13], $0x40, s14, s13, $0xb8;
	[tilespmem:$0x1CAC0] =	vst v63  }
0x5f: {  	_ = 	snop  }
0x60: {  	[tilespmem:s17], [sflag:$0x1] =	stream.indirect.gather [hbm4b:s6+s13], $0x40, s16, s13, $0xb8;
	[tilespmem:$0x1CAC0] =	vst v63  }
0x61: {  	_ = 	snop  }
0x62: {  	[tilespmem:s19], [sflag:$0x1] =	stream.indirect.gather [hbm4b:s6+s13], $0x40, s18, s13, $0xb8;
	[tilespmem:$0x1CAC0] =	vst v63  }
0x63: {  	_ =	swait.ge [sflag:s20], $0x1900  }
0x64: {  	[sflag:s20] =	ssyncset.done $0x0  }
0x65: {  	[sflag:s20] =	ssyncadd.s32 $0xFFFFE700  }
0x66: {  	_ =	swait.ge [sflag:s20], $0x1900  }
0x67: {  	[sflag:s20] =	ssyncset.done $0x0  }
0x68: {  	[sflag:s20] =	ssyncadd.s32 $0xFFFFE700  }
0x69: {  	_ =	swait.ge [sflag:s20], $0x1900  }
0x6a: {  	[sflag:s20] =	ssyncset.done $0x0  }
0x6b: {  	[sflag:s20] =	ssyncadd.s32 $0xFFFFE700  }
0x6c: {  	_ =	swait.ge [sflag:s20], $0x1900  }
0x6d: {  	[sflag:s20] =	ssyncset.done $0x0  }
0x6e: {  	[sflag:s20] =	ssyncadd.s32 $0xFFFFE700  }
0x6f: {  	_ =	swait.ge [sflag:s20], $0x1900  }
0x70: {  	[sflag:s20] =	ssyncset.done $0x0  }
0x71: {  	[sflag:s20] =	ssyncadd.s32 $0xFFFFE700  }
0x72: {  	_ =	swait.ge [sflag:s20], $0x1900  }
0x73: {  	[sflag:s20] =	ssyncset.done $0x0  }
0x74: {  	[sflag:s20] =	ssyncadd.s32 $0xFFFFE700  }
0x75: {  	_ =	swait.ge [sflag:s20], $0x1900  }
0x76: {  	[sflag:s20] =	ssyncset.done $0x0  }
0x77: {  	[sflag:s20] =	ssyncadd.s32 $0xFFFFE700  }
0x78: {  	_ =	swait.ge [sflag:s20], $0x1900  }
0x79: {  	[sflag:s20] =	ssyncset.done $0x0  }
0x7a: {  	[sflag:s20] =	ssyncadd.s32 $0xFFFFE700  }
0x7b: {  	_ =	swait.ge [sflag:s20], $0x1900  }
0x7c: {  	[sflag:s20] =	ssyncset.done $0x0  }
0x7d: {  	[sflag:s20] =	ssyncadd.s32 $0xFFFFE700  }
0x7e: {  	_ =	swait.ge [sflag:s20], $0x1900  }
0x7f: {  	[sflag:s20] =	ssyncset.done $0x0  }
0x80: {  	[sflag:s20] =	ssyncadd.s32 $0xFFFFE700  }
0x81: {  	_ =	swait.ge [sflag:s20], $0x1900  }
0x82: {  	[sflag:s20] =	ssyncset.done $0x0  }
0x83: {  	[sflag:s20] =	ssyncadd.s32 $0xFFFFE700  }
0x84: {  	_ =	swait.ge [sflag:s20], $0x1900  }
0x85: {  	[sflag:s20] =	ssyncset.done $0x0  }
0x86: {  	[sflag:s20] =	ssyncadd.s32 $0xFFFFE700  }
0x87: {  	_ =	swait.ge [sflag:s20], $0x1900  }
0x88: {  	[sflag:s20] =	ssyncset.done $0x0  }
0x89: {  	[sflag:s20] =	ssyncadd.s32 $0xFFFFE700  }
0x8a: {  	_ =	swait.ge [sflag:s20], $0x1900  }
0x8b: {  	[sflag:s20] =	ssyncset.done $0x0  }
0x8c: {  	[sflag:s20] =	ssyncadd.s32 $0xFFFFE700  }
0x8d: {  	_ =	swait.ge [sflag:s20], $0x1900  }
0x8e: {  	[sflag:s20] =	ssyncset.done $0x0  }
0x8f: {  	[sflag:s20] =	ssyncadd.s32 $0xFFFFE700  }
0x90: {  	_ =	swait.ge [sflag:s20], $0x1900  }
0x91: {  	[sflag:s20] =	ssyncset.done $0x0  }
0x92: {  	s23 =	simm.s32 $0x0;
	[sflag:s20] =	ssyncadd.s32 $0xFFFFE700  }
0x93: {  	v1 =	vld [tilespmem:s23+$0x19880]  }
0x94: {  	v2 =	vld [tilespmem:s23+$0x19890]  }
0x95: {  	v4 =	vld [tilespmem:s23+$0x198A0]  }
0x96: {  	v0 =	vld [tilespmem:s23+$0x198B0]  }
0x97: {  	v3 =	vld [tilespmem:s23+$0x6C0]  }
0x98: {  	v5 =	vld [tilespmem:s23+$0x3900]  }
0x99: {  	v6 =	vld [tilespmem:s23+$0x6B40]  }
0x9a: {  	v7 =	vld [tilespmem:s23+$0x9D80]  }
0x9b: {  	v8 =	vld [tilespmem:s23+$0xCFC0]  }
0x9c: {  	v9 =	vld [tilespmem:s23+$0x10200];
	v3 =	vadd.f32 v3, v1  }
0x9d: {  	v10 =	vld [tilespmem:s23+$0x13440];
	v5 =	vadd.f32 v5, v1  }
0x9e: {  	v6 =	vadd.f32 v6, v1;
	[tilespmem:s23+$0x6C0] =	vst v3;
	v3 =	vld [tilespmem:s23+$0x16680]  }
0x9f: {  	v7 =	vadd.f32 v7, v1;
	[tilespmem:s23+$0x3900] =	vst v5;
	v5 =	vld [tilespmem:s23+$0x6D0]  }
0xa0: {  	v8 =	vadd.f32 v8, v1;
	[tilespmem:s23+$0x6B40] =	vst v6;
	v6 =	vld [tilespmem:s23+$0x3910]  }
0xa1: {  	v9 =	vadd.f32 v9, v1;
	[tilespmem:s23+$0x9D80] =	vst v7;
	v7 =	vld [tilespmem:s23+$0x6B50]  }
0xa2: {  	v10 =	vadd.f32 v10, v1;
	[tilespmem:s23+$0xCFC0] =	vst v8;
	v8 =	vld [tilespmem:s23+$0x9D90]  }
0xa3: {  	v61 =	vld [tilespmem:s23+$0xCFD0];
	[tilespmem:s23+$0x10200] =	vst v9;
	v1 =	vadd.f32 v3, v1  }
0xa4: {  	[tilespmem:s23+$0x13440] =	vst v10;
	v3 =	vld [tilespmem:s23+$0x10210];
	v5 =	vadd.f32 v5, v2  }
0xa5: {  	v6 =	vadd.f32 v6, v2;
	[tilespmem:s23+$0x16680] =	vst v1;
	v1 =	vld [tilespmem:s23+$0x13450]  }
0xa6: {  	v7 =	vadd.f32 v7, v2;
	[tilespmem:s23+$0x6D0] =	vst v5;
	v5 =	vld [tilespmem:s23+$0x16690]  }
0xa7: {  	v8 =	vadd.f32 v8, v2;
	[tilespmem:s23+$0x3910] =	vst v6;
	v6 =	vld [tilespmem:s23+$0x6E0]  }
0xa8: {  	v9 =	vadd.f32 v61, v2;
	[tilespmem:s23+$0x6B50] =	vst v7;
	v7 =	vld [tilespmem:s23+$0x3920]  }
0xa9: {  	[tilespmem:s23+$0x9D90] =	vst v8;
	v8 =	vld [tilespmem:s23+$0x6B60];
	v3 =	vadd.f32 v3, v2  }
0xaa: {  	v62 =	vld [tilespmem:s23+$0x9DA0];
	[tilespmem:s23+$0xCFD0] =	vst v9;
	v1 =	vadd.f32 v1, v2  }
0xab: {  	[tilespmem:s23+$0x10210] =	vst v3;
	v3 =	vld [tilespmem:s23+$0xCFE0];
	v2 =	vadd.f32 v5, v2  }
0xac: {  	v5 =	vadd.f32 v6, v4;
	v6 =	vld [tilespmem:s23+$0x13460];
	[tilespmem:s23+$0x13450] =	vst v1  }
0xad: {  	v1 =	vld [tilespmem:s23+$0x10220];
	[tilespmem:s23+$0x16690] =	vst v2;
	v2 =	vadd.f32 v7, v4  }
0xae: {  	[tilespmem:s23+$0x6E0] =	vst v5;
	v5 =	vld [tilespmem:s23+$0x166A0];
	v7 =	vadd.f32 v8, v4  }
0xaf: {  	v8 =	vld [tilespmem:s23+$0x6F0];
	[tilespmem:s23+$0x3920] =	vst v2;
	v2 =	vadd.f32 v62, v4  }
0xb0: {  	v63 =	vld [tilespmem:s23+$0x3930];
	[tilespmem:s23+$0x6B60] =	vst v7;
	v3 =	vadd.f32 v3, v4  }
0xb1: {  	v6 =	vadd.f32 v6, v4;
	[tilespmem:s23+$0x9DA0] =	vst v2;
	v2 =	vld [tilespmem:s23+$0x6B70]  }
0xb2: {  	v7 =	vadd.f32 v1, v4;
	[tilespmem:s23+$0xCFE0] =	vst v3;
	v1 =	vld [tilespmem:s23+$0x9DB0]  }
0xb3: {  	v3 =	vld [tilespmem:s23+$0xCFF0];
	v5 =	vadd.f32 v5, v4;
	[tilespmem:s23+$0x13460] =	vst v6  }
0xb4: {  	v4 =	vld [tilespmem:s23+$0x10230];
	[tilespmem:s23+$0x10220] =	vst v7;
	v7 =	vadd.f32 v8, v0  }
0xb5: {  	s24 =	simm.s32 $0x100;
	v6 =	vadd.f32 v63, v0;
	[tilespmem:s23+$0x166A0] =	vst v5;
	v5 =	vld [tilespmem:s23+$0x13470]  }
.LBB2_3:
0xb6: {  	s25 =	sshra.s32 s24, $0x2;
	p0 =	sne.s32 s24, $0xC700;
	[tilespmem:s23+$0x6F0] =	vst v7;
	v2 =	vadd.f32 v2, v0;
	v7 =	vld [tilespmem:s23+$0x166B0]  }
0xb7: {  	v8 =	vld [tilespmem:s25+$0x19880];
	[tilespmem:s23+$0x3930] =	vst v6;
	v1 =	vadd.f32 v1, v0  }
0xb8: {  	v6 =	vld [tilespmem:s25+$0x19890];
	[tilespmem:s23+$0x6B70] =	vst v2;
	v2 =	vadd.f32 v3, v0  }
0xb9: {  	v3 =	vld [tilespmem:s25+$0x198A0];
	[tilespmem:s23+$0x9DB0] =	vst v1;
	v1 =	vadd.f32 v4, v0  }
0xba: {  	v4 =	vld [tilespmem:s25+$0x198B0];
	[tilespmem:s23+$0xCFF0] =	vst v2;
	v2 =	vadd.f32 v5, v0  }
0xbb: {  	v5 =	vld [tilespmem:s25+$0x6C0];
	[tilespmem:s23+$0x10230] =	vst v1;
	v0 =	vadd.f32 v7, v0  }
0xbc: {  	v1 =	vld [tilespmem:s25+$0x3900];
	[tilespmem:s23+$0x13470] =	vst v2  }
0xbd: {  	v2 =	vld [tilespmem:s25+$0x6B40];
	[tilespmem:s23+$0x166B0] =	vst v0;
	s23 =	smov.u32 s25  }
0xbe: {  	v7 =	vld [tilespmem:s23+$0x9D80]  }
0xbf: {  	v9 =	vld [tilespmem:s23+$0xCFC0];
	v0 =	vmov v4  }
0xc0: {  	v4 =	vadd.f32 v5, v8;
	v5 =	vld [tilespmem:s23+$0x10200]  }
0xc1: {  	v1 =	vadd.f32 v1, v8;
	v10 =	vld [tilespmem:s23+$0x13440]  }
0xc2: {  	[tilespmem:s23+$0x6C0] =	vst v4;
	v2 =	vadd.f32 v2, v8;
	v4 =	vld [tilespmem:s23+$0x16680]  }
0xc3: {  	[tilespmem:s23+$0x3900] =	vst v1;
	v1 =	vadd.f32 v7, v8;
	v7 =	vld [tilespmem:s23+$0x6D0]  }
0xc4: {  	[tilespmem:s23+$0x6B40] =	vst v2;
	v2 =	vadd.f32 v9, v8;
	v9 =	vld [tilespmem:s23+$0x3910]  }
0xc5: {  	[tilespmem:s23+$0x9D80] =	vst v1;
	v1 =	vadd.f32 v5, v8;
	v5 =	vld [tilespmem:s23+$0x6B50]  }
0xc6: {  	[tilespmem:s23+$0xCFC0] =	vst v2;
	v2 =	vadd.f32 v10, v8;
	v10 =	vld [tilespmem:s23+$0x9D90]  }
0xc7: {  	[tilespmem:s23+$0x10200] =	vst v1;
	v1 =	vadd.f32 v4, v8;
	v4 =	vld [tilespmem:s23+$0xCFD0]  }
0xc8: {  	[tilespmem:s23+$0x13440] =	vst v2;
	v2 =	vadd.f32 v7, v6;
	v7 =	vld [tilespmem:s23+$0x10210]  }
0xc9: {  	[tilespmem:s23+$0x16680] =	vst v1;
	v1 =	vadd.f32 v9, v6;
	v8 =	vld [tilespmem:s23+$0x13450]  }
0xca: {  	[tilespmem:s23+$0x6D0] =	vst v2;
	v2 =	vadd.f32 v5, v6;
	v5 =	vld [tilespmem:s23+$0x16690]  }
0xcb: {  	[tilespmem:s23+$0x3910] =	vst v1;
	v1 =	vadd.f32 v10, v6;
	v9 =	vld [tilespmem:s23+$0x6E0]  }
0xcc: {  	[tilespmem:s23+$0x6B50] =	vst v2;
	v2 =	vadd.f32 v4, v6;
	v4 =	vld [tilespmem:s23+$0x3920]  }
0xcd: {  	[tilespmem:s23+$0x9D90] =	vst v1;
	v1 =	vadd.f32 v7, v6;
	v7 =	vld [tilespmem:s23+$0x6B60]  }
0xce: {  	[tilespmem:s23+$0xCFD0] =	vst v2;
	v2 =	vadd.f32 v8, v6;
	v8 =	vld [tilespmem:s23+$0x9DA0]  }
0xcf: {  	[tilespmem:s23+$0x10210] =	vst v1;
	v1 =	vadd.f32 v5, v6;
	v5 =	vld [tilespmem:s23+$0xCFE0]  }
0xd0: {  	[tilespmem:s23+$0x13450] =	vst v2;
	v2 =	vadd.f32 v9, v3;
	v6 =	vld [tilespmem:s23+$0x10220]  }
0xd1: {  	[tilespmem:s23+$0x16690] =	vst v1;
	v1 =	vadd.f32 v4, v3;
	v4 =	vld [tilespmem:s23+$0x13460]  }
0xd2: {  	[tilespmem:s23+$0x6E0] =	vst v2;
	v2 =	vadd.f32 v7, v3;
	v7 =	vld [tilespmem:s23+$0x166A0]  }
0xd3: {  	[tilespmem:s23+$0x3920] =	vst v1;
	v1 =	vadd.f32 v8, v3;
	v8 =	vld [tilespmem:s23+$0x6F0]  }
0xd4: {  	[tilespmem:s23+$0x6B60] =	vst v2;
	v5 =	vadd.f32 v5, v3;
	v9 =	vld [tilespmem:s23+$0x3930]  }
.Ltmp0:
0xd5: {  	[tilespmem:s23+$0x9DA0] =	vst v1;
	v6 =	vadd.f32 v6, v3;
	v2 =	vld [tilespmem:s23+$0x6B70];
	(pc) =	sbr.rel @p0 .LBB2_3-.Ltmp0, $4  }
0xd6: {  	[tilespmem:s23+$0xCFE0] =	vst v5;
	v4 =	vadd.f32 v4, v3;
	v1 =	vld [tilespmem:s23+$0x9DB0]  }
0xd7: {  	[tilespmem:s23+$0x10220] =	vst v6;
	v5 =	vadd.f32 v7, v3;
	v3 =	vld [tilespmem:s23+$0xCFF0]  }
0xd8: {  	[tilespmem:s23+$0x13460] =	vst v4;
	v7 =	vadd.f32 v8, v0;
	v4 =	vld [tilespmem:s23+$0x10230]  }
0xd9: {  	s24 =	sadd.s32 $0x100, s24;
	[tilespmem:s23+$0x166A0] =	vst v5;
	v6 =	vadd.f32 v9, v0;
	v5 =	vld [tilespmem:s23+$0x13470]  }
0xda: {  	[tilespmem:s23+$0x6F0] =	vst v7;
	v2 =	vadd.f32 v2, v0;
	v59 =	vld [tilespmem:s23+$0x166B0]  }
0xdb: {  	[tilespmem:s23+$0x3930] =	vst v6;
	v1 =	vadd.f32 v1, v0  }
0xdc: {  	[tilespmem:s23+$0x6B70] =	vst v2;
	v60 =	vadd.f32 v3, v0  }
0xdd: {  	[tilespmem:s23+$0x9DB0] =	vst v1;
	v61 =	vadd.f32 v4, v0  }
0xde: {  	[tilespmem:s23+$0xCFF0] =	vst v60;
	v62 =	vadd.f32 v5, v0  }
0xdf: {  	s22 =	smul.u32 $0x648, s22;
	s3 =	sadd.s32 $0x1, s3;
	[tilespmem:s23+$0x10230] =	vst v61;
	v63 =	vadd.f32 v59, v0  }
0xe0: {  	s25 =	rddreg [dreg:$0x2];
	p0 =	sne.s32 s3, $0x10;
	[tilespmem:s23+$0x13470] =	vst v62  }
.Ltmp1:
0xe1: {  	s22 =	sadd.s32 s25, s22;
	[tilespmem:s23+$0x166B0] =	vst v63;
	(pc) =	sbr.rel @p0 .LBB2_2-.Ltmp1, $4  }
0xe2: {  	[hbm4b:s22+s26] =	stream.linear.scatter [tilespmem:s21], [sflag:$0x2], $0x19200, $0x38;
	[tilespmem:$0x1CAC0] =	vst v63  }
0xe3: {  	_ =	swait.ge [sflag:s11], $0x19200  }
0xe4: {  	[sflag:s11] =	ssyncset.done $0x0  }
0xe5: {  	[sflag:s11] =	ssyncadd.s32 $0xFFFE6E00  }
0xe6: {  	s22 =	rddreg [dreg:$0x6]  }
0xe7: {  	s3 =	rddreg [dreg:$0x5];
	s22 =	sadd.s32 $0x1, s22  }
0xe8: {  	p0 =	sne.s32 s22, s3  }
.Ltmp2:
0xe9: {  	_ = 	snop;
	(pc) =	sbr.rel @p0 .LBB2_1-.Ltmp2, $1  }
0xea: {  	_ =	sdelay $0x3  }
0xeb: {  	_ =	sfence.sel $0x180000  }
0xec: {  	[bflag:$0x0] =	sbarrier.arrive $0xFFFF  }
0xed: {  	_ =	strace $0x90000047  }
0xee: {  	s0 =	stileid.u32;
	[bflag:$0x2] =	sbarrier.arrive $0xFFFF  }
0xef: {  	p0 =	sne.s32 s0, $0x0;
	s0 =	rddreg [dreg:$0x3]  }
0xf0: {  	s0 =	sadd.s32 @!p0 $0x100000, s0  }
0xf1: {  	[sflag:s0] =	ssyncadd.tile.s32 @!p0 $0x1;
	_ =	shalt  }
.Lfunc_end2:
_tile_overlayer_lowered:
.L_overlay_start_2:
0xf2: {  	(tag) =	ssettag $0x2  }
0xf3: {  	s0 =	rddreg [dreg:$0x0];
	s2 =	stileid.u32  }
0xf4: {  	s1 =	rddreg [dreg:$0x1];
	p0 =	sne.s32 s2, $0x0  }
0xf5: {  	s3 =	rddreg [dreg:$0x2];
	[bflag:$0x3] =	sbarrier.arrive $0xFFFF;
	s2 =	simm.s32 @!p0 $0x1C02  }
0xf6: {  	[timem:s3], [sflag:s2] =	dma.local @!p0 [hbm:s0], s1  }
0xf7: {  	s0 =	simm.s32 @!p0 $0x2  }
0xf8: {  	_ =	swait.ge @!p0 [sflag:s0], s1  }
0xf9: {  	s1 =	ssub.s32 @!p0 $0x0, s1;
	[sflag:s0] =	ssyncset.done @!p0 $0x0  }
0xfa: {  	[sflag:s0] =	ssyncadd.s32 @!p0 s1  }
0xfb: {  	[bflag:$0x3] =	sbarrier.arrive $0xFFFF  }
0xfc: {  	_ =	shalt  }

// kernel: sparse-core-data-format-call.cloned.1.call-start
scs
called_computation_lowered:
.L_overlay_start_0:
0x0: {  	s2 =	sld [smem:$0x3FD9]  }
0x1: {  	s3 =	sld [smem:$0x3FFE];
	_ =	sdelay $0x1  }
0x2: {  	s1 =	srdreg.scid  }
0x3: {  	s0 =	sand.u32 $0x1, s1  }
0x4: {  	s18 =	sshll.u32 s0, $0xA;
	s2 =	sadd.s32 s3, s2  }
0x5: {  	s2 =	sadd.s32 s2, s18  }
0x6: {  	[smem:$0x3FC4] =	sst s2  }
0x7: {  	_ = 	snop  }
0x8: {  	s2 =	sld [smem:$0x3FD0];
	(tm) =	ssettm $0x1  }
0x9: {  	s19 =	sld [smem:$0x3FFB];
	_ =	sdelay $0x3  }
0xa: {  	_ =	strace s19  }
0xb: {  	s3 =	sld [smem:$0x3FFC];
	_ =	sdelay $0x3  }
0xc: {  	_ =	strace s3  }
0xd: {  	s3 =	sld [smem:$0x3FFD];
	_ =	sdelay $0x3  }
0xe: {  	_ =	strace s3  }
0xf: {  	_ =	strace $0x8FFFFFFF  }
0x10: {  	s20 =	sld [smem:$0x3FDB];
	_ =	sdelay $0x1  }
0x11: {  	s4 =	simm.s32 $_scs_section_size  }
0x12: {  	s5 =	simm.s32 $_size__tile_overlayer_lowered;
	s6 =	simm.s32 $_tile_overlayer_lowered  }
0x13: {  	s23 =	simm.s32 $0x1BFF;
	s22 =	sshll.u32 s6, $0x1;
	s3 =	sadd.s32 s4, s20  }
0x14: {  	s7 =	simm.s32 $0x0;
	s21 =	sshll.u32 s5, $0x1;
	s5 =	sadd.s32 s22, s3  }
0x15: {  	[timem:s7], [sflag:s23] =	dma.local [hbm:s5], s21  }
0x16: {  	_ =	swait.ge [sflag:s23], s21  }
0x17: {  	s4 =	ssub.s32 $0x0, s21;
	[sflag:s23] =	ssyncset.done $0x0  }
0x18: {  	[sflag:s23] =	ssyncadd.s32 s4;
	_ =	sdelay $0x1  }
0x19: {  	s24 =	simm.s32 $0x1B8B  }
0x1a: {  	_ =	swait.ge [sflag:s24], $0x1  }
0x1b: {  	[sflag:s24] =	ssyncset.done $0x0  }
0x1c: {  	s26 =	simm.s32 $0x1B8E;
	s25 =	sld [smem:$0x3FFE];
	[sflag:s24] =	ssyncadd.s32 $0xFFFFFFFF  }
0x1d: {  	s27 =	simm.s32 $execute0_lowered;
	[smem:$0x3FD2] =	sst s26  }
0x1e: {  	s5 =	sshll.u32 s27, $0x1;
	_ =	strace $0x80000049;
	[dreg:$0x1] =	wrdreg $0xFFFFFFFF  }
0x1f: {  	s28 =	simm.s32 $_size_execute0_lowered;
	s3 =	sadd.s32 s3, s5;
	[dreg:$0x0] =	wrdreg $0x0  }
0x20: {  	s5 =	sshll.u32 s28, $0x1;
	[dreg:$0x2] =	wrdreg s3  }
0x21: {  	[dreg:$0x3] =	wrdreg s5  }
0x22: {  	[dreg:$0x4] =	wrdreg $0xC0  }
0x23: {  	_ =	task [dreg:s7], $0x5FFFF  }
0x24: {  	[dreg:$0x1] =	wrdreg $0xFFFFFFFF  }
0x25: {  	[dreg:$0x0] =	wrdreg $0x60  }
0x26: {  	[dreg:$0x2] =	wrdreg s25  }
0x27: {  	[dreg:$0x3] =	wrdreg s2  }
0x28: {  	[dreg:$0x4] =	wrdreg $0x9  }
0x29: {  	_ =	task.clear_ibuf [dreg:s7], $0x5FFFF;
	_ =	strace $0x90000049  }
0x2a: {  	s29 =	simm.s32 $0x9;
	_ =	strace $0x8000004B  }
0x2b: {  	_ =	swait.ge [sflag:s29], $0x1  }
0x2c: {  	[sflag:s29] =	ssyncadd.s32 $0xFFFFFFFF  }
0x2d: {  	_ =	strace $0x9000004B  }
0x2e: {  	_ =	sfence  }
0x2f: {  	s30 =	sld [smem:$0x0];
	_ =	sdelay $0x2  }
0x30: {  	s31 =	sshll.u32 s1, $0xD;
	s1 =	sshrl.u32 s1, $0x2  }
0x31: {  	s3 =	sand.u32 $0x4000, s31;
	s1 =	sadd.s32 s1, s30  }
0x32: {  	s0 =	sor.u32 s3, s0;
	s1 =	sshll.u32 s1, $0x11  }
0x33: {  	s0 =	sor.u32 s1, s0  }
0x34: {  	s0 =	sadd.s32 $0x8F2B, s0  }
0x35: {  	[sflag:s0] =	ssyncadd.remote.s32 $0x1  }
0x36: {  	_ =	sfence.sel $0xFFFF  }
0x37: {  	[dreg:$0x0] =	wrdreg $0xFFFFFFFF;
	(pc) =	sbr.abs _section_cstart, $3  }
0x38: {  	[dreg:$0x1] =	wrdreg $0xFFFFFFFF  }
0x39: {  	_ =	task.clear_ibuf [dreg:s7], $0x2FFFF;
	_ =	strace $0x9FFFFFFF  }
0x3a: {  	(tm) =	ssettm $0x7FFFFFFF  }
0x3b: {  	_ =	shalt  }
tec
execute0_lowered:
.L_overlay_start_1:
0x0: {  	(tag) =	ssettag $0x1  }
0x1: {  	s0 =	srdreg.scid  }
0x2: {  	s1 =	sshll.u32 s0, $0x4  }
0x3: {  	s4 =	rddreg [dreg:$0x0];
	s0 =	stileid.u32;
	s1 =	sand.u32 $0x10, s1  }
0x4: {  	s2 =	rddreg [dreg:$0x1];
	s7 =	simm.s32 $0x1;
	s1 =	sor.u32 s0, s1  }
0x5: {  	s8 =	simm.s32 $0x2;
	s11 =	simm.s32 $0x0;
	s3 =	sshll.u32 s1, $0x7  }
0x6: {  	s10 =	simm.s32 $0x0;
	s4 =	sadd.s32 $0x800, s4;
	s6 =	ssub.s32 $0xC9000, s3  }
.Ltmp0:
0x7: {  	s1 =	rddreg [dreg:$0x2];
	s5 =	sand.u32 $0xF80, s6;
	(pc) =	sbr.rel .LBB1_1-.Ltmp0, $4  }
0x8: {  	_ =	strace $0x8000004A;
	s9 =	smov.u32 s3;
	p0 =	sne.s32 s5, $0x0  }
0x9: {  	s6 =	sshrl.u32 s6, $0xC;
	s5 =	simm.s32 $0x1;
	s7 =	simm.s32 @!p0 $0x0  }
0xa: {  	[sflag:s5] =	ssyncpa.u1 $0x0;
	p0 =	por $0x0, $0x0;
	s6 =	sadd.s32 s7, s6  }
0xb: {  	[sflag:s8] =	ssyncpa.u1 $0x0;
	s8 =	simm.s32 $0x648000;
	s7 =	sadd.s32 $0x1, s6  }
.LBB1_4:
0xc: {  	s14 =	sshll.u32 s11, $0x3  }
0xd: {  	s30 =	sand.u32 $0x7F, s11;
	s15 =	sand.u32 $0xFFFFFC00, s14  }
0xe: {  	s11 =	sor.u32 s30, s15  }
0xf: {  	s15 =	smulhi.u32 $0x28C1979, s11  }
0x10: {  	s14 =	smulhi.u32 $0x28C1979, s14  }
0x11: {  	s15 =	sshrl.u32 s15, $0xD  }
0x12: {  	s14 =	sshrl.u32 s14, $0xD;
	s15 =	smul.u32 $0xC9000, s15  }
0x13: {  	s14 =	sand.u32 $0x3F, s14  }
0x14: {  	s14 =	smul.u32 $0x19200, s14;
	s11 =	ssub.s32 s11, s15  }
0x15: {  	[tilespmem:s13+$0x810 ss:$0x81] =	vst.msk $0xffff, v2;
	s15 =	sand.u32 $0x7, s11  }
0x16: {  	[tilespmem:s13+$0x1020 ss:$0x81] =	vst.msk $0xffff, v0;
	s14 =	sadd.s32 s2, s14;
	s11 =	sshrl.u32 s11, $0x3;
	s15 =	sshll.u32 s15, $0x12  }
0x17: {  	[tilespmem:s13+$0x0 ss:$0x81] =	vst.msk $0xffff, v1;
	s11 =	sadd.s32 s11, s14;
	s31 =	sor.u32 $0x400, s15  }
0x18: {  	[hbm4b:s11+s31] =	stream.strided.scatter [tilespmem:s12], [sflag:$0x2], $0x2000, s8, s31, $0x20;
	[tilespmem:$0x8080] =	vst v63  }
.LBB1_5:
0x19: {  	s13 =	sadd.s32 $0x1000, s9  }
0x1a: {  	p2 =	sgt.s32 s13, $0xC8FFF  }
0x1b: {  	s13 =	smov.u32 @p2 s3;
	p2 =	sne.s32 s10, s7  }
.Ltmp1:
0x1c: {  	p1 =	slt.u32 s10, $0x2;
	(pc) =	sbr.rel @!p2 .LBB1_6-.Ltmp1, $4  }
0x1d: {  	s12 =	simm.s32 @!p1 $0x2  }
0x1e: {  	s14 =	sadd.s32 $0x1, s10;
	_ =	swait.ge @!p1 [sflag:s12], $0x2000  }
0x1f: {  	s11 =	smov.u32 s9;
	p0 =	por !p0, !p0;
	[sflag:s12] =	ssyncset.done @!p1 $0x0  }
0x20: {  	s10 =	smov.u32 s14;
	s9 =	smov.u32 s13;
	[sflag:s12] =	ssyncadd.s32 @!p1 $0xFFFFE000  }
.LBB1_1:
0x21: {  	p1 =	sge.u32 s10, s6  }
0x22: {  	s12 =	sand.u32 @!p1 $0x1FFFFFF, s9  }
0x23: {  	s13 =	smulhi.u32 @!p1 $0x1460CBD, s12;
	_ =	sdelay $0x1  }
0x24: {  	s13 =	sshrl.u32 @!p1 s13, $0xC  }
0x25: {  	s13 =	smul.u32 @!p1 $0xC9000, s13;
	_ =	sdelay $0x1  }
0x26: {  	s31 =	sadd.s32 $0xFFFFFFFF, s10;
	s14 =	sxor.u32 @!p1 $0xFFFFFFFF, s10;
	s12 =	ssub.s32 @!p1 s12, s13  }
0x27: {  	s15 =	simm.s32 @!p1 $0x80;
	s14 =	sshll.u32 @!p1 s14, $0xD;
	s12 =	sshll.u32 @!p1 s12, $0x4  }
0x28: {  	s13 =	sand.u32 @!p1 $0x2000, s14;
	s14 =	simm.s32 @!p1 $0x40;
	s12 =	sadd.s32 @!p1 s4, s12  }
0x29: {  	[tilespmem:s13], [sflag:$0x1] =	stream.strided.gather @!p1 [hbm4b:s12+s14], $0x2000, s15, s14, $0x38;
	[tilespmem:$0x8080] =	vst v63  }
0x2a: {  	p1 =	sge.u32 s31, s6  }
.Ltmp2:
0x2b: {  	_ = 	snop;
	(pc) =	sbr.rel @p1 .LBB1_5-.Ltmp2, $1  }
0x2c: {  	_ =	sdelay $0x3  }
0x2d: {  	s12 =	simm.s32 $0x1  }
0x2e: {  	_ =	swait.ge [sflag:s5], $0x2000;
	s12 =	simm.s32 @!p0 $0x0  }
0x2f: {  	[sflag:s5] =	ssyncset.done $0x0;
	s13 =	sshll.u32 s12, $0xD  }
0x30: {  	[sflag:s5] =	ssyncadd.s32 $0xFFFFE000;
	s16 =	sor.u32 $0x20, s13  }
0x31: {  	s12 =	smul.u32 $0x8100, s12;
	v3 =	vld [tilespmem:s16+$0x10]  }
0x32: {  	s30 =	sand.u32 $0x1, s10;
	v2 =	vld [tilespmem:s16+$0xFFFFFFF0]  }
0x33: {  	s13 =	smul.u32 $0x8100, s30;
	s12 =	sshrl.u32 s12, $0x2;
	v0 =	vld [tilespmem:s16+$0x0]  }
0x34: {  	v1 =	vld [tilespmem:s16+$0xFFFFFFE0];
	s14 =	sor.u32 $0x4000, s12  }
0x35: {  	s31 =	sshrl.u32 s13, $0x2;
	s13 =	sadd.s32 $0x0, s14  }
0x36: {  	s15 =	simm.s32 $0x4;
	s16 =	sadd.s32 $0x40, s16;
	s12 =	sor.u32 $0x4000, s31;
	[tilespmem:s13+$0x1830 ss:$0x81] =	vst.msk $0xffff, v3  }
.LBB1_3:
0x37: {  	v3 =	vld [tilespmem:s16+$0x10];
	p1 =	sne.s32 s15, $0x1FC;
	[tilespmem:s13+$0x810 ss:$0x81] =	vst.msk $0xffff, v2;
	s17 =	smov.u32 s15;
	s15 =	sadd.s32 $0x4, s15  }
.Ltmp3:
0x38: {  	v2 =	vld [tilespmem:s16+$0xFFFFFFF0];
	[tilespmem:s13+$0x1020 ss:$0x81] =	vst.msk $0xffff, v0;
	(pc) =	sbr.rel @p1 .LBB1_3-.Ltmp3, $4  }
0x39: {  	v0 =	vld [tilespmem:s16+$0x0];
	[tilespmem:s13+$0x0 ss:$0x81] =	vst.msk $0xffff, v1  }
0x3a: {  	s13 =	sshra.s32 s17, $0x2;
	v1 =	vld [tilespmem:s16+$0xFFFFFFE0]  }
0x3b: {  	s13 =	sadd.s32 s13, s14  }
0x3c: {  	s16 =	sadd.s32 $0x40, s16;
	[tilespmem:s13+$0x1830 ss:$0x81] =	vst.msk $0xffff, v3  }
.Ltmp4:
0x3d: {  	_ = 	snop;
	(pc) =	sbr.rel .LBB1_4-.Ltmp4, $1  }
0x3e: {  	_ =	sdelay $0x3  }
.LBB1_6:
0x3f: {  	_ =	sfence.sel $0x180000  }
0x40: {  	s2 =	simm.s32 $0x1;
	[bflag:$0x0] =	sbarrier.arrive $0xFFFF  }
0x41: {  	s31 =	simm.s32 $0x2;
	[sflag:s2] =	ssyncpa.u1 $0x1  }
0x42: {  	[sflag:s31] =	ssyncpa.u1 $0x1  }
0x43: {  	p0 =	sne.s32 s0, $0x0;
	_ =	strace $0x9000004A  }
0x44: {  	s0 =	sadd.s32 @!p0 $0x100000, s1;
	[bflag:$0x2] =	sbarrier.arrive $0xFFFF  }
0x45: {  	[sflag:s0] =	ssyncadd.tile.s32 @!p0 $0x1;
	_ =	shalt  }
.Lfunc_end1:
_tile_overlayer_lowered:
.L_overlay_start_2:
0x46: {  	(tag) =	ssettag $0x2  }
0x47: {  	s0 =	rddreg [dreg:$0x0];
	s2 =	stileid.u32  }
0x48: {  	s1 =	rddreg [dreg:$0x1];
	p0 =	sne.s32 s2, $0x0  }
0x49: {  	s3 =	rddreg [dreg:$0x2];
	[bflag:$0x3] =	sbarrier.arrive $0xFFFF;
	s2 =	simm.s32 @!p0 $0x1C01  }
0x4a: {  	[timem:s3], [sflag:s2] =	dma.local @!p0 [hbm:s0], s1  }
0x4b: {  	s0 =	simm.s32 @!p0 $0x1  }
0x4c: {  	_ =	swait.ge @!p0 [sflag:s0], s1  }
0x4d: {  	s1 =	ssub.s32 @!p0 $0x0, s1;
	[sflag:s0] =	ssyncset.done @!p0 $0x0  }
0x4e: {  	[sflag:s0] =	ssyncadd.s32 @!p0 s1  }
0x4f: {  	[bflag:$0x3] =	sbarrier.arrive $0xFFFF  }
0x50: {  	_ =	shalt  }

</sc_bundles>
